<compile_context>
chip_gen: v7x
topology: tpu7x:2x2x1
jax: 0.10.2.dev20260603
libtpu: 0.0.44.dev20260713+nightly
codegen_flags: <defaults>
</compile_context>

<pallas_src>
import functools

import jax
import jax.numpy as jnp
from jax import lax
from jax.experimental import pallas as pl
from jax.experimental.pallas import tpu as pltpu
from jax.experimental.pallas import tpu_sc as plsc


def _sc_gather2(uidx, iidx, t_all):
    B = uidx.shape[0]
    DF = t_all.shape[1]
    info = plsc.get_sparse_core_info()
    nc = info.num_cores
    nw = nc * info.num_subcores
    bpw = B // nw
    mesh = plsc.VectorSubcoreMesh(core_axis_name="c", subcore_axis_name="s")
    out_t = jax.ShapeDtypeStruct((B, DF), jnp.float32)

    @functools.partial(
        pl.kernel,
        mesh=mesh,
        out_type=[out_t, out_t],
        scratch_types=[
            pltpu.VMEM((bpw,), jnp.int32),
            pltpu.VMEM((bpw,), jnp.int32),
            pltpu.VMEM((bpw, DF), jnp.float32),
            pltpu.SemaphoreType.DMA,
        ],
    )
    def gather_kernel(uidx_hbm, iidx_hbm, tbl, o_u, o_i,
                      sidx_u, sidx_i, rows, gsem):
        wid = lax.axis_index("s") * nc + lax.axis_index("c")
        base = wid * bpw
        sl = pl.ds(base, bpw)
        pltpu.sync_copy(uidx_hbm.at[sl], sidx_u)
        pltpu.sync_copy(iidx_hbm.at[sl], sidx_i)

        def do_side(sidx, oref):
            def fire(j, _):
                v = sidx[pl.ds(j * 16, 16)]
                for l in range(16):
                    pltpu.async_copy(tbl.at[v[l]], rows.at[j * 16 + l], gsem)
                return _

            lax.fori_loop(0, bpw // 16, fire, None)

            def drain(j, _):
                pltpu.make_async_copy(tbl.at[0], rows.at[0], gsem).wait()
                return _

            lax.fori_loop(0, bpw, drain, None)
            pltpu.sync_copy(rows, oref.at[sl])

        do_side(sidx_u, o_u)
        do_side(sidx_i, o_i)

    return gather_kernel(uidx, iidx, t_all)


def _tc_mlp(u_rows, i_rows, W1, b1, W2, b2, W3, b3, Wo, bo):
    B, DF = u_rows.shape
    D = DF // 4
    BLK = 2048
    grid = B // BLK
    w1a, w1b = W1[:D], W1[D:]
    womf_t = Wo[:D].reshape(1, D)
    woh_t = Wo[D:].reshape(1, -1)
    b1r = b1.reshape(1, -1)
    b2r = b2.reshape(1, -1)
    b3r = b3.reshape(1, -1)
    bor = bo.reshape(1, 1)

    def body(u_ref, i_ref,
             w1a_ref, w1b_ref, b1_ref, w2_ref, b2_ref, w3_ref, b3_ref,
             womf_ref, woh_ref, bo_ref, out_ref):
        u = u_ref[...]
        i = i_ref[...]
        u_mf = u[:, 0:D]
        i_mf = i[:, D:2 * D]
        u_mlp = u[:, 2 * D:3 * D]
        i_mlp = i[:, 3 * D:4 * D]
        h = jnp.dot(u_mlp, w1a_ref[...], preferred_element_type=jnp.float32)
        h = h + jnp.dot(i_mlp, w1b_ref[...], preferred_element_type=jnp.float32)
        h = jnp.maximum(h + b1_ref[...], 0.0)
        h = jnp.dot(h, w2_ref[...], preferred_element_type=jnp.float32)
        h = jnp.maximum(h + b2_ref[...], 0.0)
        h = jnp.dot(h, w3_ref[...], preferred_element_type=jnp.float32)
        h = jnp.maximum(h + b3_ref[...], 0.0)
        mf = u_mf * i_mf
        acc = mf * womf_ref[...] + h * woh_ref[...]
        out_ref[...] = jnp.sum(acc, axis=1, keepdims=True) + bo_ref[...]

    row_spec = pl.BlockSpec((BLK, DF), lambda i: (i, 0))
    full = lambda a: pl.BlockSpec(a.shape, lambda i: (0,) * a.ndim)
    out = pl.pallas_call(
        body,
        grid=(grid,),
        in_specs=[row_spec, row_spec,
                  full(w1a), full(w1b), full(b1r), full(W2), full(b2r),
                  full(W3), full(b3r), full(womf_t), full(woh_t), full(bor)],
        out_specs=pl.BlockSpec((BLK, 1), lambda i: (i, 0)),
        out_shape=jax.ShapeDtypeStruct((B, 1), jnp.float32),
    )(u_rows, i_rows, w1a, w1b, b1r, W2, b2r, W3, b3r, womf_t, woh_t, bor)
    return out[:, 0]


def _tc_repack(umf_t, imf_t, umlp_t, imlp_t):
    D, V = umf_t.shape
    BLK = 4096
    grid = pl.cdiv(V, BLK)

    def body(a_ref, b_ref, c_ref, d_ref, out_ref):
        out_ref[...] = jnp.concatenate(
            [jnp.transpose(r[...]) for r in (a_ref, b_ref, c_ref, d_ref)],
            axis=1)

    in_spec = pl.BlockSpec((D, BLK), lambda i: (0, i))
    return pl.pallas_call(
        body,
        grid=(grid,),
        in_specs=[in_spec, in_spec, in_spec, in_spec],
        out_specs=pl.BlockSpec((BLK, 4 * D), lambda i: (i, 0)),
        out_shape=jax.ShapeDtypeStruct((V, 4 * D), jnp.float32),
    )(umf_t, imf_t, umlp_t, imlp_t)


def kernel(user_idx, item_idx, user_embedding_mf, item_embedding_mf,
           user_embedding_mlp, item_embedding_mlp, W1, b1, W2, b2, W3, b3,
           Wo, bo):
    t_all = _tc_repack(user_embedding_mf.T, item_embedding_mf.T,
                       user_embedding_mlp.T, item_embedding_mlp.T)
    u_rows, i_rows = _sc_gather2(
        user_idx.astype(jnp.int32), item_idx.astype(jnp.int32), t_all)
    return _tc_mlp(u_rows, i_rows, W1, b1, W2, b2, W3, b3, Wo, bo)

# --- scband reference (transcript-rebuilt; emitter-appended) ---
"""Pipeline reference for scband-neu-mf-88622355185883 (READ-ONLY COPY).

The authoritative reference and input builder live on the scoring server;
editing this copy changes nothing except your own understanding.
"""

import jax, jax.numpy as jnp
import numpy as np

B = 16384
NU = 1000000
NI = 1000000
D = 32


def setup_inputs(seed: int = 0) -> dict:
    key = jax.random.key(seed)
    ks = jax.random.split(key, 16)
    user_idx = jax.random.randint(ks[0], (B,), 0, NU, dtype=jnp.int32).astype(jnp.int64) if False else jax.random.randint(ks[0], (B,), 0, NU)
    item_idx = jax.random.randint(ks[1], (B,), 0, NI)
    s = 0.02
    user_embedding_mf = jax.random.normal(ks[2], (NU, D), dtype=jnp.float32) * s
    item_embedding_mf = jax.random.normal(ks[3], (NI, D), dtype=jnp.float32) * s
    user_embedding_mlp = jax.random.normal(ks[4], (NU, D), dtype=jnp.float32) * s
    item_embedding_mlp = jax.random.normal(ks[5], (NI, D), dtype=jnp.float32) * s
    W1 = jax.random.normal(ks[6], (2 * D, 128), dtype=jnp.float32) * 0.05
    b1 = jnp.zeros((128,), dtype=jnp.float32)
    W2 = jax.random.normal(ks[7], (128, 64), dtype=jnp.float32) * 0.05
    b2 = jnp.zeros((64,), dtype=jnp.float32)
    W3 = jax.random.normal(ks[8], (64, 32), dtype=jnp.float32) * 0.05
    b3 = jnp.zeros((32,), dtype=jnp.float32)
    Wo = jax.random.normal(ks[9], (D + 32, 1), dtype=jnp.float32) * 0.05
    bo = jnp.zeros((1,), dtype=jnp.float32)
    return {
        'user_idx': user_idx, 'item_idx': item_idx,
        'user_embedding_mf': user_embedding_mf, 'item_embedding_mf': item_embedding_mf,
        'user_embedding_mlp': user_embedding_mlp, 'item_embedding_mlp': item_embedding_mlp,
        'W1': W1, 'b1': b1, 'W2': W2, 'b2': b2, 'W3': W3, 'b3': b3, 'Wo': Wo, 'bo': bo,
    }


def reference(user_idx, item_idx, user_embedding_mf, item_embedding_mf,
              user_embedding_mlp, item_embedding_mlp, W1, b1, W2, b2, W3, b3, Wo, bo):
    # embedding lookups (SparseCore gathers)
    user_mf = jnp.take(user_embedding_mf, user_idx, axis=0)
    item_mf = jnp.take(item_embedding_mf, item_idx, axis=0)
    user_mlp = jnp.take(user_embedding_mlp, user_idx, axis=0)
    item_mlp = jnp.take(item_embedding_mlp, item_idx, axis=0)
    mf_part = user_mf * item_mf
    h = jnp.concatenate([user_mlp, item_mlp], axis=-1)
    h = jax.nn.relu(h @ W1 + b1)
    # dropout is identity in eval mode
    h = jax.nn.relu(h @ W2 + b2)
    h = jax.nn.relu(h @ W3 + b3)
    final_features = jnp.concatenate([mf_part, h], axis=-1)
    out = (final_features @ Wo + bo)
    return jnp.squeeze(out, axis=-1)

if __name__ == "__main__":
    import jax
    _d = setup_inputs()
    print(jax.jit(kernel)(*tuple(_d.values())))

</pallas_src>

<mosaic_0001>
#map = affine_map<(d0, d1) -> (0)>
#map1 = affine_map<(d0, d1) -> (0, 0)>
module attributes {stable_mosaic.version = 14 : i64} {
  func.func @gather_kernel(%arg0: i32, %arg1: i32, %arg2: memref<16384xi32, #tpu.memory_space<hbm>>, %arg3: memref<16384xi32, #tpu.memory_space<hbm>>, %arg4: memref<1000000x128xf32, #tpu.memory_space<hbm>>, %arg5: memref<16384x128xf32, #tpu.memory_space<hbm>>, %arg6: memref<16384x128xf32, #tpu.memory_space<hbm>>, %arg7: memref<512xi32, #tpu.memory_space<vmem>>, %arg8: memref<512xi32, #tpu.memory_space<vmem>>, %arg9: memref<512x128xf32, #tpu.memory_space<vmem>>, %arg10: memref<!tpu.dma_semaphore, #tpu.memory_space<semaphore_mem>>) attributes {dimension_semantics = [#tpu.dimension_semantics<core_parallel>, #tpu.dimension_semantics<subcore_parallel>], iteration_bounds = array<i64: 2, 16>, scalar_prefetch = 0 : i64, scratch_operands = 4 : i64, tpu.core_type = #tpu.core_type<sc_vector_subcore>, window_params = [{transform_indices = #map}, {transform_indices = #map}, {transform_indices = #map1}, {transform_indices = #map1}, {transform_indices = #map1}]} {
    %mul3A = arith.constant 2 : i32
    %mul3A_0 = arith.muli %arg1, %mul3A : i32
    %add3A = arith.addi %mul3A_0, %arg0 : i32
    %mul3A_1 = arith.constant 512 : i32
    %mul3A_2 = arith.muli %add3A, %mul3A_1 : i32
    "tpu.region"() ({
      %run_scoped3A = tpu.sem_alloc : memref<!tpu.dma_semaphore, #tpu.memory_space<semaphore_mem>>
      %dma_start3A = tpu.memref_slice %arg2[%mul3A_2] : memref<16384xi32, #tpu.memory_space<hbm>> -> memref<512xi32, #tpu.memory_space<hbm>>
      %dma_start3A_22 = tpu.memref_slice %arg2[%mul3A_2] : memref<16384xi32, #tpu.memory_space<hbm>> -> memref<512xi32, #tpu.memory_space<hbm>>
      tpu.enqueue_dma source(%dma_start3A_22 : memref<512xi32, #tpu.memory_space<hbm>>) target(%arg7 : memref<512xi32, #tpu.memory_space<vmem>>) target_semaphore(%run_scoped3A : memref<!tpu.dma_semaphore, #tpu.memory_space<semaphore_mem>>)
      %dma_wait3A = tpu.memref_slice %arg2[%mul3A_2] : memref<16384xi32, #tpu.memory_space<hbm>> -> memref<512xi32, #tpu.memory_space<hbm>>
      %dma_wait3A_23 = tpu.memref_slice %arg2[%mul3A_2] : memref<16384xi32, #tpu.memory_space<hbm>> -> memref<512xi32, #tpu.memory_space<hbm>>
      tpu.wait_dma2 semaphore(%run_scoped3A : memref<!tpu.dma_semaphore, #tpu.memory_space<semaphore_mem>>) src(%dma_wait3A_23 : memref<512xi32, #tpu.memory_space<hbm>>) dst(%arg7 : memref<512xi32, #tpu.memory_space<vmem>>)
      tpu.yield
    }) : () -> ()
    "tpu.region"() ({
      %run_scoped3A = tpu.sem_alloc : memref<!tpu.dma_semaphore, #tpu.memory_space<semaphore_mem>>
      %dma_start3A = tpu.memref_slice %arg3[%mul3A_2] : memref<16384xi32, #tpu.memory_space<hbm>> -> memref<512xi32, #tpu.memory_space<hbm>>
      %dma_start3A_22 = tpu.memref_slice %arg3[%mul3A_2] : memref<16384xi32, #tpu.memory_space<hbm>> -> memref<512xi32, #tpu.memory_space<hbm>>
      tpu.enqueue_dma source(%dma_start3A_22 : memref<512xi32, #tpu.memory_space<hbm>>) target(%arg8 : memref<512xi32, #tpu.memory_space<vmem>>) target_semaphore(%run_scoped3A : memref<!tpu.dma_semaphore, #tpu.memory_space<semaphore_mem>>)
      %dma_wait3A = tpu.memref_slice %arg3[%mul3A_2] : memref<16384xi32, #tpu.memory_space<hbm>> -> memref<512xi32, #tpu.memory_space<hbm>>
      %dma_wait3A_23 = tpu.memref_slice %arg3[%mul3A_2] : memref<16384xi32, #tpu.memory_space<hbm>> -> memref<512xi32, #tpu.memory_space<hbm>>
      tpu.wait_dma2 semaphore(%run_scoped3A : memref<!tpu.dma_semaphore, #tpu.memory_space<semaphore_mem>>) src(%dma_wait3A_23 : memref<512xi32, #tpu.memory_space<hbm>>) dst(%arg8 : memref<512xi32, #tpu.memory_space<vmem>>)
      tpu.yield
    }) : () -> ()
    %scan3A = arith.constant 0 : i32
    %scan3A_3 = arith.constant 32 : i32
    %scan3A_4 = arith.addi %scan3A, %scan3A_3 : i32
    %scan3A_5 = arith.constant 1 : i32
    scf.for %scan3A_22 = %scan3A to %scan3A_4 step %scan3A_5  : i32 {
      %mul3A_23 = arith.constant 16 : i32
      %mul3A_24 = arith.muli %scan3A_22, %mul3A_23 : i32
      %get3A = arith.index_cast %mul3A_24 : i32 to index
      %get3A_25 = tpu.vector_load %arg7[%get3A] {strides = array<i32>} : memref<512xi32, #tpu.memory_space<vmem>>, vector<16xi32>,
      %get3A_26 = vector.shape_cast %get3A_25 : vector<16xi32> to vector<16xi32>
      %slice3A = vector.extract_strided_slice %get3A_26 {offsets = [0], sizes = [1], strides = [1]} : vector<16xi32> to vector<1xi32>
      %squeeze3A = vector.extract %slice3A[0] : i32 from vector<1xi32>
      %mul3A_27 = arith.constant 16 : i32
      %mul3A_28 = arith.muli %scan3A_22, %mul3A_27 : i32
      %add3A_29 = arith.constant 0 : i32
      %add3A_30 = arith.addi %mul3A_28, %add3A_29 : i32
      %dma_start3A = arith.constant 0 : i32
      %dma_start3A_31 = tpu.memref_slice %arg9[%add3A_30, %dma_start3A] : memref<512x128xf32, #tpu.memory_space<vmem>> -> memref<1x128xf32, #tpu.memory_space<vmem>>
      %dma_start3A_32 = tpu.memref_squeeze %dma_start3A_31 : memref<1x128xf32, #tpu.memory_space<vmem>> -> memref<128xf32, #tpu.memory_space<vmem>>
      %dma_start3A_33 = arith.constant 0 : i32
      %dma_start3A_34 = tpu.memref_slice %arg4[%squeeze3A, %dma_start3A_33] : memref<1000000x128xf32, #tpu.memory_space<hbm>> -> memref<1x128xf32, #tpu.memory_space<hbm>>
      %dma_start3A_35 = tpu.memref_squeeze %dma_start3A_34 : memref<1x128xf32, #tpu.memory_space<hbm>> -> memref<128xf32, #tpu.memory_space<hbm>>
      %dma_start3A_36 = arith.constant 0 : i32
      %dma_start3A_37 = tpu.memref_slice %arg9[%add3A_30, %dma_start3A_36] : memref<512x128xf32, #tpu.memory_space<vmem>> -> memref<1x128xf32, #tpu.memory_space<vmem>>
      %dma_start3A_38 = tpu.memref_squeeze %dma_start3A_37 : memref<1x128xf32, #tpu.memory_space<vmem>> -> memref<128xf32, #tpu.memory_space<vmem>>
      %dma_start3A_39 = arith.constant 0 : i32
      %dma_start3A_40 = tpu.memref_slice %arg4[%squeeze3A, %dma_start3A_39] : memref<1000000x128xf32, #tpu.memory_space<hbm>> -> memref<1x128xf32, #tpu.memory_space<hbm>>
      %dma_start3A_41 = tpu.memref_squeeze %dma_start3A_40 : memref<1x128xf32, #tpu.memory_space<hbm>> -> memref<128xf32, #tpu.memory_space<hbm>>
      tpu.enqueue_dma source(%dma_start3A_41 : memref<128xf32, #tpu.memory_space<hbm>>) target(%dma_start3A_38 : memref<128xf32, #tpu.memory_space<vmem>>) target_semaphore(%arg10 : memref<!tpu.dma_semaphore, #tpu.memory_space<semaphore_mem>>)
      %slice3A_42 = vector.extract_strided_slice %get3A_26 {offsets = [1], sizes = [1], strides = [1]} : vector<16xi32> to vector<1xi32>
      %squeeze3A_43 = vector.extract %slice3A_42[0] : i32 from vector<1xi32>
      %mul3A_44 = arith.constant 16 : i32
      %mul3A_45 = arith.muli %scan3A_22, %mul3A_44 : i32
      %add3A_46 = arith.constant 1 : i32
      %add3A_47 = arith.addi %mul3A_45, %add3A_46 : i32
      %dma_start3A_48 = arith.constant 0 : i32
      %dma_start3A_49 = tpu.memref_slice %arg9[%add3A_47, %dma_start3A_48] : memref<512x128xf32, #tpu.memory_space<vmem>> -> memref<1x128xf32, #tpu.memory_space<vmem>>
      %dma_start3A_50 = tpu.memref_squeeze %dma_start3A_49 : memref<1x128xf32, #tpu.memory_space<vmem>> -> memref<128xf32, #tpu.memory_space<vmem>>
      %dma_start3A_51 = arith.constant 0 : i32
      %dma_start3A_52 = tpu.memref_slice %arg4[%squeeze3A_43, %dma_start3A_51] : memref<1000000x128xf32, #tpu.memory_space<hbm>> -> memref<1x128xf32, #tpu.memory_space<hbm>>
      %dma_start3A_53 = tpu.memref_squeeze %dma_start3A_52 : memref<1x128xf32, #tpu.memory_space<hbm>> -> memref<128xf32, #tpu.memory_space<hbm>>
      %dma_start3A_54 = arith.constant 0 : i32
      %dma_start3A_55 = tpu.memref_slice %arg9[%add3A_47, %dma_start3A_54] : memref<512x128xf32, #tpu.memory_space<vmem>> -> memref<1x128xf32, #tpu.memory_space<vmem>>
      %dma_start3A_56 = tpu.memref_squeeze %dma_start3A_55 : memref<1x128xf32, #tpu.memory_space<vmem>> -> memref<128xf32, #tpu.memory_space<vmem>>
      %dma_start3A_57 = arith.constant 0 : i32
      %dma_start3A_58 = tpu.memref_slice %arg4[%squeeze3A_43, %dma_start3A_57] : memref<1000000x128xf32, #tpu.memory_space<hbm>> -> memref<1x128xf32, #tpu.memory_space<hbm>>
      %dma_start3A_59 = tpu.memref_squeeze %dma_start3A_58 : memref<1x128xf32, #tpu.memory_space<hbm>> -> memref<128xf32, #tpu.memory_space<hbm>>
      tpu.enqueue_dma source(%dma_start3A_59 : memref<128xf32, #tpu.memory_space<hbm>>) target(%dma_start3A_56 : memref<128xf32, #tpu.memory_space<vmem>>) target_semaphore(%arg10 : memref<!tpu.dma_semaphore, #tpu.memory_space<semaphore_mem>>)
      %slice3A_60 = vector.extract_strided_slice %get3A_26 {offsets = [2], sizes = [1], strides = [1]} : vector<16xi32> to vector<1xi32>
      %squeeze3A_61 = vector.extract %slice3A_60[0] : i32 from vector<1xi32>
      %mul3A_62 = arith.constant 16 : i32
      %mul3A_63 = arith.muli %scan3A_22, %mul3A_62 : i32
      %add3A_64 = arith.constant 2 : i32
      %add3A_65 = arith.addi %mul3A_63, %add3A_64 : i32
      %dma_start3A_66 = arith.constant 0 : i32
      %dma_start3A_67 = tpu.memref_slice %arg9[%add3A_65, %dma_start3A_66] : memref<512x128xf32, #tpu.memory_space<vmem>> -> memref<1x128xf32, #tpu.memory_space<vmem>>
      %dma_start3A_68 = tpu.memref_squeeze %dma_start3A_67 : memref<1x128xf32, #tpu.memory_space<vmem>> -> memref<128xf32, #tpu.memory_space<vmem>>
      %dma_start3A_69 = arith.constant 0 : i32
      %dma_start3A_70 = tpu.memref_slice %arg4[%squeeze3A_61, %dma_start3A_69] : memref<1000000x128xf32, #tpu.memory_space<hbm>> -> memref<1x128xf32, #tpu.memory_space<hbm>>
      %dma_start3A_71 = tpu.memref_squeeze %dma_start3A_70 : memref<1x128xf32, #tpu.memory_space<hbm>> -> memref<128xf32, #tpu.memory_space<hbm>>
      %dma_start3A_72 = arith.constant 0 : i32
      %dma_start3A_73 = tpu.memref_slice %arg9[%add3A_65, %dma_start3A_72] : memref<512x128xf32, #tpu.memory_space<vmem>> -> memref<1x128xf32, #tpu.memory_space<vmem>>
      %dma_start3A_74 = tpu.memref_squeeze %dma_start3A_73 : memref<1x128xf32, #tpu.memory_space<vmem>> -> memref<128xf32, #tpu.memory_space<vmem>>
      %dma_start3A_75 = arith.constant 0 : i32
      %dma_start3A_76 = tpu.memref_slice %arg4[%squeeze3A_61, %dma_start3A_75] : memref<1000000x128xf32, #tpu.memory_space<hbm>> -> memref<1x128xf32, #tpu.memory_space<hbm>>
      %dma_start3A_77 = tpu.memref_squeeze %dma_start3A_76 : memref<1x128xf32, #tpu.memory_space<hbm>> -> memref<128xf32, #tpu.memory_space<hbm>>
      tpu.enqueue_dma source(%dma_start3A_77 : memref<128xf32, #tpu.memory_space<hbm>>) target(%dma_start3A_74 : memref<128xf32, #tpu.memory_space<vmem>>) target_semaphore(%arg10 : memref<!tpu.dma_semaphore, #tpu.memory_space<semaphore_mem>>)
      %slice3A_78 = vector.extract_strided_slice %get3A_26 {offsets = [3], sizes = [1], strides = [1]} : vector<16xi32> to vector<1xi32>
      %squeeze3A_79 = vector.extract %slice3A_78[0] : i32 from vector<1xi32>
      %mul3A_80 = arith.constant 16 : i32
      %mul3A_81 = arith.muli %scan3A_22, %mul3A_80 : i32
      %add3A_82 = arith.constant 3 : i32
      %add3A_83 = arith.addi %mul3A_81, %add3A_82 : i32
      %dma_start3A_84 = arith.constant 0 : i32
      %dma_start3A_85 = tpu.memref_slice %arg9[%add3A_83, %dma_start3A_84] : memref<512x128xf32, #tpu.memory_space<vmem>> -> memref<1x128xf32, #tpu.memory_space<vmem>>
      %dma_start3A_86 = tpu.memref_squeeze %dma_start3A_85 : memref<1x128xf32, #tpu.memory_space<vmem>> -> memref<128xf32, #tpu.memory_space<vmem>>
      %dma_start3A_87 = arith.constant 0 : i32
      %dma_start3A_88 = tpu.memref_slice %arg4[%squeeze3A_79, %dma_start3A_87] : memref<1000000x128xf32, #tpu.memory_space<hbm>> -> memref<1x128xf32, #tpu.memory_space<hbm>>
      %dma_start3A_89 = tpu.memref_squeeze %dma_start3A_88 : memref<1x128xf32, #tpu.memory_space<hbm>> -> memref<128xf32, #tpu.memory_space<hbm>>
      %dma_start3A_90 = arith.constant 0 : i32
      %dma_start3A_91 = tpu.memref_slice %arg9[%add3A_83, %dma_start3A_90] : memref<512x128xf32, #tpu.memory_space<vmem>> -> memref<1x128xf32, #tpu.memory_space<vmem>>
      %dma_start3A_92 = tpu.memref_squeeze %dma_start3A_91 : memref<1x128xf32, #tpu.memory_space<vmem>> -> memref<128xf32, #tpu.memory_space<vmem>>
      %dma_start3A_93 = arith.constant 0 : i32
      %dma_start3A_94 = tpu.memref_slice %arg4[%squeeze3A_79, %dma_start3A_93] : memref<1000000x128xf32, #tpu.memory_space<hbm>> -> memref<1x128xf32, #tpu.memory_space<hbm>>
      %dma_start3A_95 = tpu.memref_squeeze %dma_start3A_94 : memref<1x128xf32, #tpu.memory_space<hbm>> -> memref<128xf32, #tpu.memory_space<hbm>>
      tpu.enqueue_dma source(%dma_start3A_95 : memref<128xf32, #tpu.memory_space<hbm>>) target(%dma_start3A_92 : memref<128xf32, #tpu.memory_space<vmem>>) target_semaphore(%arg10 : memref<!tpu.dma_semaphore, #tpu.memory_space<semaphore_mem>>)
      %slice3A_96 = vector.extract_strided_slice %get3A_26 {offsets = [4], sizes = [1], strides = [1]} : vector<16xi32> to vector<1xi32>
      %squeeze3A_97 = vector.extract %slice3A_96[0] : i32 from vector<1xi32>
      %mul3A_98 = arith.constant 16 : i32
      %mul3A_99 = arith.muli %scan3A_22, %mul3A_98 : i32
      %add3A_100 = arith.constant 4 : i32
      %add3A_101 = arith.addi %mul3A_99, %add3A_100 : i32
      %dma_start3A_102 = arith.constant 0 : i32
      %dma_start3A_103 = tpu.memref_slice %arg9[%add3A_101, %dma_start3A_102] : memref<512x128xf32, #tpu.memory_space<vmem>> -> memref<1x128xf32, #tpu.memory_space<vmem>>
      %dma_start3A_104 = tpu.memref_squeeze %dma_start3A_103 : memref<1x128xf32, #tpu.memory_space<vmem>> -> memref<128xf32, #tpu.memory_space<vmem>>
      %dma_start3A_105 = arith.constant 0 : i32
      %dma_start3A_106 = tpu.memref_slice %arg4[%squeeze3A_97, %dma_start3A_105] : memref<1000000x128xf32, #tpu.memory_space<hbm>> -> memref<1x128xf32, #tpu.memory_space<hbm>>
      %dma_start3A_107 = tpu.memref_squeeze %dma_start3A_106 : memref<1x128xf32, #tpu.memory_space<hbm>> -> memref<128xf32, #tpu.memory_space<hbm>>
      %dma_start3A_108 = arith.constant 0 : i32
      %dma_start3A_109 = tpu.memref_slice %arg9[%add3A_101, %dma_start3A_108] : memref<512x128xf32, #tpu.memory_space<vmem>> -> memref<1x128xf32, #tpu.memory_space<vmem>>
      %dma_start3A_110 = tpu.memref_squeeze %dma_start3A_109 : memref<1x128xf32, #tpu.memory_space<vmem>> -> memref<128xf32, #tpu.memory_space<vmem>>
      %dma_start3A_111 = arith.constant 0 : i32
      %dma_start3A_112 = tpu.memref_slice %arg4[%squeeze3A_97, %dma_start3A_111] : memref<1000000x128xf32, #tpu.memory_space<hbm>> -> memref<1x128xf32, #tpu.memory_space<hbm>>
      %dma_start3A_113 = tpu.memref_squeeze %dma_start3A_112 : memref<1x128xf32, #tpu.memory_space<hbm>> -> memref<128xf32, #tpu.memory_space<hbm>>
      tpu.enqueue_dma source(%dma_start3A_113 : memref<128xf32, #tpu.memory_space<hbm>>) target(%dma_start3A_110 : memref<128xf32, #tpu.memory_space<vmem>>) target_semaphore(%arg10 : memref<!tpu.dma_semaphore, #tpu.memory_space<semaphore_mem>>)
      %slice3A_114 = vector.extract_strided_slice %get3A_26 {offsets = [5], sizes = [1], strides = [1]} : vector<16xi32> to vector<1xi32>
      %squeeze3A_115 = vector.extract %slice3A_114[0] : i32 from vector<1xi32>
      %mul3A_116 = arith.constant 16 : i32
      %mul3A_117 = arith.muli %scan3A_22, %mul3A_116 : i32
      %add3A_118 = arith.constant 5 : i32
      %add3A_119 = arith.addi %mul3A_117, %add3A_118 : i32
      %dma_start3A_120 = arith.constant 0 : i32
      %dma_start3A_121 = tpu.memref_slice %arg9[%add3A_119, %dma_start3A_120] : memref<512x128xf32, #tpu.memory_space<vmem>> -> memref<1x128xf32, #tpu.memory_space<vmem>>
      %dma_start3A_122 = tpu.memref_squeeze %dma_start3A_121 : memref<1x128xf32, #tpu.memory_space<vmem>> -> memref<128xf32, #tpu.memory_space<vmem>>
      %dma_start3A_123 = arith.constant 0 : i32
      %dma_start3A_124 = tpu.memref_slice %arg4[%squeeze3A_115, %dma_start3A_123] : memref<1000000x128xf32, #tpu.memory_space<hbm>> -> memref<1x128xf32, #tpu.memory_space<hbm>>
      %dma_start3A_125 = tpu.memref_squeeze %dma_start3A_124 : memref<1x128xf32, #tpu.memory_space<hbm>> -> memref<128xf32, #tpu.memory_space<hbm>>
      %dma_start3A_126 = arith.constant 0 : i32
      %dma_start3A_127 = tpu.memref_slice %arg9[%add3A_119, %dma_start3A_126] : memref<512x128xf32, #tpu.memory_space<vmem>> -> memref<1x128xf32, #tpu.memory_space<vmem>>
      %dma_start3A_128 = tpu.memref_squeeze %dma_start3A_127 : memref<1x128xf32, #tpu.memory_space<vmem>> -> memref<128xf32, #tpu.memory_space<vmem>>
      %dma_start3A_129 = arith.constant 0 : i32
      %dma_start3A_130 = tpu.memref_slice %arg4[%squeeze3A_115, %dma_start3A_129] : memref<1000000x128xf32, #tpu.memory_space<hbm>> -> memref<1x128xf32, #tpu.memory_space<hbm>>
      %dma_start3A_131 = tpu.memref_squeeze %dma_start3A_130 : memref<1x128xf32, #tpu.memory_space<hbm>> -> memref<128xf32, #tpu.memory_space<hbm>>
      tpu.enqueue_dma source(%dma_start3A_131 : memref<128xf32, #tpu.memory_space<hbm>>) target(%dma_start3A_128 : memref<128xf32, #tpu.memory_space<vmem>>) target_semaphore(%arg10 : memref<!tpu.dma_semaphore, #tpu.memory_space<semaphore_mem>>)
      %slice3A_132 = vector.extract_strided_slice %get3A_26 {offsets = [6], sizes = [1], strides = [1]} : vector<16xi32> to vector<1xi32>
      %squeeze3A_133 = vector.extract %slice3A_132[0] : i32 from vector<1xi32>
      %mul3A_134 = arith.constant 16 : i32
      %mul3A_135 = arith.muli %scan3A_22, %mul3A_134 : i32
      %add3A_136 = arith.constant 6 : i32
      %add3A_137 = arith.addi %mul3A_135, %add3A_136 : i32
      %dma_start3A_138 = arith.constant 0 : i32
      %dma_start3A_139 = tpu.memref_slice %arg9[%add3A_137, %dma_start3A_138] : memref<512x128xf32, #tpu.memory_space<vmem>> -> memref<1x128xf32, #tpu.memory_space<vmem>>
      %dma_start3A_140 = tpu.memref_squeeze %dma_start3A_139 : memref<1x128xf32, #tpu.memory_space<vmem>> -> memref<128xf32, #tpu.memory_space<vmem>>
      %dma_start3A_141 = arith.constant 0 : i32
      %dma_start3A_142 = tpu.memref_slice %arg4[%squeeze3A_133, %dma_start3A_141] : memref<1000000x128xf32, #tpu.memory_space<hbm>> -> memref<1x128xf32, #tpu.memory_space<hbm>>
      %dma_start3A_143 = tpu.memref_squeeze %dma_start3A_142 : memref<1x128xf32, #tpu.memory_space<hbm>> -> memref<128xf32, #tpu.memory_space<hbm>>
      %dma_start3A_144 = arith.constant 0 : i32
      %dma_start3A_145 = tpu.memref_slice %arg9[%add3A_137, %dma_start3A_144] : memref<512x128xf32, #tpu.memory_space<vmem>> -> memref<1x128xf32, #tpu.memory_space<vmem>>
      %dma_start3A_146 = tpu.memref_squeeze %dma_start3A_145 : memref<1x128xf32, #tpu.memory_space<vmem>> -> memref<128xf32, #tpu.memory_space<vmem>>
      %dma_start3A_147 = arith.constant 0 : i32
      %dma_start3A_148 = tpu.memref_slice %arg4[%squeeze3A_133, %dma_start3A_147] : memref<1000000x128xf32, #tpu.memory_space<hbm>> -> memref<1x128xf32, #tpu.memory_space<hbm>>
      %dma_start3A_149 = tpu.memref_squeeze %dma_start3A_148 : memref<1x128xf32, #tpu.memory_space<hbm>> -> memref<128xf32, #tpu.memory_space<hbm>>
      tpu.enqueue_dma source(%dma_start3A_149 : memref<128xf32, #tpu.memory_space<hbm>>) target(%dma_start3A_146 : memref<128xf32, #tpu.memory_space<vmem>>) target_semaphore(%arg10 : memref<!tpu.dma_semaphore, #tpu.memory_space<semaphore_mem>>)
      %slice3A_150 = vector.extract_strided_slice %get3A_26 {offsets = [7], sizes = [1], strides = [1]} : vector<16xi32> to vector<1xi32>
      %squeeze3A_151 = vector.extract %slice3A_150[0] : i32 from vector<1xi32>
      %mul3A_152 = arith.constant 16 : i32
      %mul3A_153 = arith.muli %scan3A_22, %mul3A_152 : i32
      %add3A_154 = arith.constant 7 : i32
      %add3A_155 = arith.addi %mul3A_153, %add3A_154 : i32
      %dma_start3A_156 = arith.constant 0 : i32
      %dma_start3A_157 = tpu.memref_slice %arg9[%add3A_155, %dma_start3A_156] : memref<512x128xf32, #tpu.memory_space<vmem>> -> memref<1x128xf32, #tpu.memory_space<vmem>>
      %dma_start3A_158 = tpu.memref_squeeze %dma_start3A_157 : memref<1x128xf32, #tpu.memory_space<vmem>> -> memref<128xf32, #tpu.memory_space<vmem>>
      %dma_start3A_159 = arith.constant 0 : i32
      %dma_start3A_160 = tpu.memref_slice %arg4[%squeeze3A_151, %dma_start3A_159] : memref<1000000x128xf32, #tpu.memory_space<hbm>> -> memref<1x128xf32, #tpu.memory_space<hbm>>
      %dma_start3A_161 = tpu.memref_squeeze %dma_start3A_160 : memref<1x128xf32, #tpu.memory_space<hbm>> -> memref<128xf32, #tpu.memory_space<hbm>>
      %dma_start3A_162 = arith.constant 0 : i32
      %dma_start3A_163 = tpu.memref_slice %arg9[%add3A_155, %dma_start3A_162] : memref<512x128xf32, #tpu.memory_space<vmem>> -> memref<1x128xf32, #tpu.memory_space<vmem>>
      %dma_start3A_164 = tpu.memref_squeeze %dma_start3A_163 : memref<1x128xf32, #tpu.memory_space<vmem>> -> memref<128xf32, #tpu.memory_space<vmem>>
      %dma_start3A_165 = arith.constant 0 : i32
      %dma_start3A_166 = tpu.memref_slice %arg4[%squeeze3A_151, %dma_start3A_165] : memref<1000000x128xf32, #tpu.memory_space<hbm>> -> memref<1x128xf32, #tpu.memory_space<hbm>>
      %dma_start3A_167 = tpu.memref_squeeze %dma_start3A_166 : memref<1x128xf32, #tpu.memory_space<hbm>> -> memref<128xf32, #tpu.memory_space<hbm>>
      tpu.enqueue_dma source(%dma_start3A_167 : memref<128xf32, #tpu.memory_space<hbm>>) target(%dma_start3A_164 : memref<128xf32, #tpu.memory_space<vmem>>) target_semaphore(%arg10 : memref<!tpu.dma_semaphore, #tpu.memory_space<semaphore_mem>>)
      %slice3A_168 = vector.extract_strided_slice %get3A_26 {offsets = [8], sizes = [1], strides = [1]} : vector<16xi32> to vector<1xi32>
      %squeeze3A_169 = vector.extract %slice3A_168[0] : i32 from vector<1xi32>
      %mul3A_170 = arith.constant 16 : i32
      %mul3A_171 = arith.muli %scan3A_22, %mul3A_170 : i32
      %add3A_172 = arith.constant 8 : i32
      %add3A_173 = arith.addi %mul3A_171, %add3A_172 : i32
      %dma_start3A_174 = arith.constant 0 : i32
      %dma_start3A_175 = tpu.memref_slice %arg9[%add3A_173, %dma_start3A_174] : memref<512x128xf32, #tpu.memory_space<vmem>> -> memref<1x128xf32, #tpu.memory_space<vmem>>
      %dma_start3A_176 = tpu.memref_squeeze %dma_start3A_175 : memref<1x128xf32, #tpu.memory_space<vmem>> -> memref<128xf32, #tpu.memory_space<vmem>>
      %dma_start3A_177 = arith.constant 0 : i32
      %dma_start3A_178 = tpu.memref_slice %arg4[%squeeze3A_169, %dma_start3A_177] : memref<1000000x128xf32, #tpu.memory_space<hbm>> -> memref<1x128xf32, #tpu.memory_space<hbm>>
      %dma_start3A_179 = tpu.memref_squeeze %dma_start3A_178 : memref<1x128xf32, #tpu.memory_space<hbm>> -> memref<128xf32, #tpu.memory_space<hbm>>
      %dma_start3A_180 = arith.constant 0 : i32
      %dma_start3A_181 = tpu.memref_slice %arg9[%add3A_173, %dma_start3A_180] : memref<512x128xf32, #tpu.memory_space<vmem>> -> memref<1x128xf32, #tpu.memory_space<vmem>>
      %dma_start3A_182 = tpu.memref_squeeze %dma_start3A_181 : memref<1x128xf32, #tpu.memory_space<vmem>> -> memref<128xf32, #tpu.memory_space<vmem>>
      %dma_start3A_183 = arith.constant 0 : i32
      %dma_start3A_184 = tpu.memref_slice %arg4[%squeeze3A_169, %dma_start3A_183] : memref<1000000x128xf32, #tpu.memory_space<hbm>> -> memref<1x128xf32, #tpu.memory_space<hbm>>
      %dma_start3A_185 = tpu.memref_squeeze %dma_start3A_184 : memref<1x128xf32, #tpu.memory_space<hbm>> -> memref<128xf32, #tpu.memory_space<hbm>>
      tpu.enqueue_dma source(%dma_start3A_185 : memref<128xf32, #tpu.memory_space<hbm>>) target(%dma_start3A_182 : memref<128xf32, #tpu.memory_space<vmem>>) target_semaphore(%arg10 : memref<!tpu.dma_semaphore, #tpu.memory_space<semaphore_mem>>)
      %slice3A_186 = vector.extract_strided_slice %get3A_26 {offsets = [9], sizes = [1], strides = [1]} : vector<16xi32> to vector<1xi32>
      %squeeze3A_187 = vector.extract %slice3A_186[0] : i32 from vector<1xi32>
      %mul3A_188 = arith.constant 16 : i32
      %mul3A_189 = arith.muli %scan3A_22, %mul3A_188 : i32
      %add3A_190 = arith.constant 9 : i32
      %add3A_191 = arith.addi %mul3A_189, %add3A_190 : i32
      %dma_start3A_192 = arith.constant 0 : i32
      %dma_start3A_193 = tpu.memref_slice %arg9[%add3A_191, %dma_start3A_192] : memref<512x128xf32, #tpu.memory_space<vmem>> -> memref<1x128xf32, #tpu.memory_space<vmem>>
      %dma_start3A_194 = tpu.memref_squeeze %dma_start3A_193 : memref<1x128xf32, #tpu.memory_space<vmem>> -> memref<128xf32, #tpu.memory_space<vmem>>
      %dma_start3A_195 = arith.constant 0 : i32
      %dma_start3A_196 = tpu.memref_slice %arg4[%squeeze3A_187, %dma_start3A_195] : memref<1000000x128xf32, #tpu.memory_space<hbm>> -> memref<1x128xf32, #tpu.memory_space<hbm>>
      %dma_start3A_197 = tpu.memref_squeeze %dma_start3A_196 : memref<1x128xf32, #tpu.memory_space<hbm>> -> memref<128xf32, #tpu.memory_space<hbm>>
      %dma_start3A_198 = arith.constant 0 : i32
      %dma_start3A_199 = tpu.memref_slice %arg9[%add3A_191, %dma_start3A_198] : memref<512x128xf32, #tpu.memory_space<vmem>> -> memref<1x128xf32, #tpu.memory_space<vmem>>
      %dma_start3A_200 = tpu.memref_squeeze %dma_start3A_199 : memref<1x128xf32, #tpu.memory_space<vmem>> -> memref<128xf32, #tpu.memory_space<vmem>>
      %dma_start3A_201 = arith.constant 0 : i32
      %dma_start3A_202 = tpu.memref_slice %arg4[%squeeze3A_187, %dma_start3A_201] : memref<1000000x128xf32, #tpu.memory_space<hbm>> -> memref<1x128xf32, #tpu.memory_space<hbm>>
      %dma_start3A_203 = tpu.memref_squeeze %dma_start3A_202 : memref<1x128xf32, #tpu.memory_space<hbm>> -> memref<128xf32, #tpu.memory_space<hbm>>
      tpu.enqueue_dma source(%dma_start3A_203 : memref<128xf32, #tpu.memory_space<hbm>>) target(%dma_start3A_200 : memref<128xf32, #tpu.memory_space<vmem>>) target_semaphore(%arg10 : memref<!tpu.dma_semaphore, #tpu.memory_space<semaphore_mem>>)
      %slice3A_204 = vector.extract_strided_slice %get3A_26 {offsets = [10], sizes = [1], strides = [1]} : vector<16xi32> to vector<1xi32>
      %squeeze3A_205 = vector.extract %slice3A_204[0] : i32 from vector<1xi32>
      %mul3A_206 = arith.constant 16 : i32
      %mul3A_207 = arith.muli %scan3A_22, %mul3A_206 : i32
      %add3A_208 = arith.constant 10 : i32
      %add3A_209 = arith.addi %mul3A_207, %add3A_208 : i32
      %dma_start3A_210 = arith.constant 0 : i32
      %dma_start3A_211 = tpu.memref_slice %arg9[%add3A_209, %dma_start3A_210] : memref<512x128xf32, #tpu.memory_space<vmem>> -> memref<1x128xf32, #tpu.memory_space<vmem>>
      %dma_start3A_212 = tpu.memref_squeeze %dma_start3A_211 : memref<1x128xf32, #tpu.memory_space<vmem>> -> memref<128xf32, #tpu.memory_space<vmem>>
      %dma_start3A_213 = arith.constant 0 : i32
      %dma_start3A_214 = tpu.memref_slice %arg4[%squeeze3A_205, %dma_start3A_213] : memref<1000000x128xf32, #tpu.memory_space<hbm>> -> memref<1x128xf32, #tpu.memory_space<hbm>>
      %dma_start3A_215 = tpu.memref_squeeze %dma_start3A_214 : memref<1x128xf32, #tpu.memory_space<hbm>> -> memref<128xf32, #tpu.memory_space<hbm>>
      %dma_start3A_216 = arith.constant 0 : i32
      %dma_start3A_217 = tpu.memref_slice %arg9[%add3A_209, %dma_start3A_216] : memref<512x128xf32, #tpu.memory_space<vmem>> -> memref<1x128xf32, #tpu.memory_space<vmem>>
      %dma_start3A_218 = tpu.memref_squeeze %dma_start3A_217 : memref<1x128xf32, #tpu.memory_space<vmem>> -> memref<128xf32, #tpu.memory_space<vmem>>
      %dma_start3A_219 = arith.constant 0 : i32
      %dma_start3A_220 = tpu.memref_slice %arg4[%squeeze3A_205, %dma_start3A_219] : memref<1000000x128xf32, #tpu.memory_space<hbm>> -> memref<1x128xf32, #tpu.memory_space<hbm>>
      %dma_start3A_221 = tpu.memref_squeeze %dma_start3A_220 : memref<1x128xf32, #tpu.memory_space<hbm>> -> memref<128xf32, #tpu.memory_space<hbm>>
      tpu.enqueue_dma source(%dma_start3A_221 : memref<128xf32, #tpu.memory_space<hbm>>) target(%dma_start3A_218 : memref<128xf32, #tpu.memory_space<vmem>>) target_semaphore(%arg10 : memref<!tpu.dma_semaphore, #tpu.memory_space<semaphore_mem>>)
      %slice3A_222 = vector.extract_strided_slice %get3A_26 {offsets = [11], sizes = [1], strides = [1]} : vector<16xi32> to vector<1xi32>
      %squeeze3A_223 = vector.extract %slice3A_222[0] : i32 from vector<1xi32>
      %mul3A_224 = arith.constant 16 : i32
      %mul3A_225 = arith.muli %scan3A_22, %mul3A_224 : i32
      %add3A_226 = arith.constant 11 : i32
      %add3A_227 = arith.addi %mul3A_225, %add3A_226 : i32
      %dma_start3A_228 = arith.constant 0 : i32
      %dma_start3A_229 = tpu.memref_slice %arg9[%add3A_227, %dma_start3A_228] : memref<512x128xf32, #tpu.memory_space<vmem>> -> memref<1x128xf32, #tpu.memory_space<vmem>>
      %dma_start3A_230 = tpu.memref_squeeze %dma_start3A_229 : memref<1x128xf32, #tpu.memory_space<vmem>> -> memref<128xf32, #tpu.memory_space<vmem>>
      %dma_start3A_231 = arith.constant 0 : i32
      %dma_start3A_232 = tpu.memref_slice %arg4[%squeeze3A_223, %dma_start3A_231] : memref<1000000x128xf32, #tpu.memory_space<hbm>> -> memref<1x128xf32, #tpu.memory_space<hbm>>
      %dma_start3A_233 = tpu.memref_squeeze %dma_start3A_232 : memref<1x128xf32, #tpu.memory_space<hbm>> -> memref<128xf32, #tpu.memory_space<hbm>>
      %dma_start3A_234 = arith.constant 0 : i32
      %dma_start3A_235 = tpu.memref_slice %arg9[%add3A_227, %dma_start3A_234] : memref<512x128xf32, #tpu.memory_space<vmem>> -> memref<1x128xf32, #tpu.memory_space<vmem>>
      %dma_start3A_236 = tpu.memref_squeeze %dma_start3A_235 : memref<1x128xf32, #tpu.memory_space<vmem>> -> memref<128xf32, #tpu.memory_space<vmem>>
      %dma_start3A_237 = arith.constant 0 : i32
      %dma_start3A_238 = tpu.memref_slice %arg4[%squeeze3A_223, %dma_start3A_237] : memref<1000000x128xf32, #tpu.memory_space<hbm>> -> memref<1x128xf32, #tpu.memory_space<hbm>>
      %dma_start3A_239 = tpu.memref_squeeze %dma_start3A_238 : memref<1x128xf32, #tpu.memory_space<hbm>> -> memref<128xf32, #tpu.memory_space<hbm>>
      tpu.enqueue_dma source(%dma_start3A_239 : memref<128xf32, #tpu.memory_space<hbm>>) target(%dma_start3A_236 : memref<128xf32, #tpu.memory_space<vmem>>) target_semaphore(%arg10 : memref<!tpu.dma_semaphore, #tpu.memory_space<semaphore_mem>>)
      %slice3A_240 = vector.extract_strided_slice %get3A_26 {offsets = [12], sizes = [1], strides = [1]} : vector<16xi32> to vector<1xi32>
      %squeeze3A_241 = vector.extract %slice3A_240[0] : i32 from vector<1xi32>
      %mul3A_242 = arith.constant 16 : i32
      %mul3A_243 = arith.muli %scan3A_22, %mul3A_242 : i32
      %add3A_244 = arith.constant 12 : i32
      %add3A_245 = arith.addi %mul3A_243, %add3A_244 : i32
      %dma_start3A_246 = arith.constant 0 : i32
      %dma_start3A_247 = tpu.memref_slice %arg9[%add3A_245, %dma_start3A_246] : memref<512x128xf32, #tpu.memory_space<vmem>> -> memref<1x128xf32, #tpu.memory_space<vmem>>
      %dma_start3A_248 = tpu.memref_squeeze %dma_start3A_247 : memref<1x128xf32, #tpu.memory_space<vmem>> -> memref<128xf32, #tpu.memory_space<vmem>>
      %dma_start3A_249 = arith.constant 0 : i32
      %dma_start3A_250 = tpu.memref_slice %arg4[%squeeze3A_241, %dma_start3A_249] : memref<1000000x128xf32, #tpu.memory_space<hbm>> -> memref<1x128xf32, #tpu.memory_space<hbm>>
      %dma_start3A_251 = tpu.memref_squeeze %dma_start3A_250 : memref<1x128xf32, #tpu.memory_space<hbm>> -> memref<128xf32, #tpu.memory_space<hbm>>
      %dma_start3A_252 = arith.constant 0 : i32
      %dma_start3A_253 = tpu.memref_slice %arg9[%add3A_245, %dma_start3A_252] : memref<512x128xf32, #tpu.memory_space<vmem>> -> memref<1x128xf32, #tpu.memory_space<vmem>>
      %dma_start3A_254 = tpu.memref_squeeze %dma_start3A_253 : memref<1x128xf32, #tpu.memory_space<vmem>> -> memref<128xf32, #tpu.memory_space<vmem>>
      %dma_start3A_255 = arith.constant 0 : i32
      %dma_start3A_256 = tpu.memref_slice %arg4[%squeeze3A_241, %dma_start3A_255] : memref<1000000x128xf32, #tpu.memory_space<hbm>> -> memref<1x128xf32, #tpu.memory_space<hbm>>
      %dma_start3A_257 = tpu.memref_squeeze %dma_start3A_256 : memref<1x128xf32, #tpu.memory_space<hbm>> -> memref<128xf32, #tpu.memory_space<hbm>>
      tpu.enqueue_dma source(%dma_start3A_257 : memref<128xf32, #tpu.memory_space<hbm>>) target(%dma_start3A_254 : memref<128xf32, #tpu.memory_space<vmem>>) target_semaphore(%arg10 : memref<!tpu.dma_semaphore, #tpu.memory_space<semaphore_mem>>)
      %slice3A_258 = vector.extract_strided_slice %get3A_26 {offsets = [13], sizes = [1], strides = [1]} : vector<16xi32> to vector<1xi32>
      %squeeze3A_259 = vector.extract %slice3A_258[0] : i32 from vector<1xi32>
      %mul3A_260 = arith.constant 16 : i32
      %mul3A_261 = arith.muli %scan3A_22, %mul3A_260 : i32
      %add3A_262 = arith.constant 13 : i32
      %add3A_263 = arith.addi %mul3A_261, %add3A_262 : i32
      %dma_start3A_264 = arith.constant 0 : i32
      %dma_start3A_265 = tpu.memref_slice %arg9[%add3A_263, %dma_start3A_264] : memref<512x128xf32, #tpu.memory_space<vmem>> -> memref<1x128xf32, #tpu.memory_space<vmem>>
      %dma_start3A_266 = tpu.memref_squeeze %dma_start3A_265 : memref<1x128xf32, #tpu.memory_space<vmem>> -> memref<128xf32, #tpu.memory_space<vmem>>
      %dma_start3A_267 = arith.constant 0 : i32
      %dma_start3A_268 = tpu.memref_slice %arg4[%squeeze3A_259, %dma_start3A_267] : memref<1000000x128xf32, #tpu.memory_space<hbm>> -> memref<1x128xf32, #tpu.memory_space<hbm>>
      %dma_start3A_269 = tpu.memref_squeeze %dma_start3A_268 : memref<1x128xf32, #tpu.memory_space<hbm>> -> memref<128xf32, #tpu.memory_space<hbm>>
      %dma_start3A_270 = arith.constant 0 : i32
      %dma_start3A_271 = tpu.memref_slice %arg9[%add3A_263, %dma_start3A_270] : memref<512x128xf32, #tpu.memory_space<vmem>> -> memref<1x128xf32, #tpu.memory_space<vmem>>
      %dma_start3A_272 = tpu.memref_squeeze %dma_start3A_271 : memref<1x128xf32, #tpu.memory_space<vmem>> -> memref<128xf32, #tpu.memory_space<vmem>>
      %dma_start3A_273 = arith.constant 0 : i32
      %dma_start3A_274 = tpu.memref_slice %arg4[%squeeze3A_259, %dma_start3A_273] : memref<1000000x128xf32, #tpu.memory_space<hbm>> -> memref<1x128xf32, #tpu.memory_space<hbm>>
      %dma_start3A_275 = tpu.memref_squeeze %dma_start3A_274 : memref<1x128xf32, #tpu.memory_space<hbm>> -> memref<128xf32, #tpu.memory_space<hbm>>
      tpu.enqueue_dma source(%dma_start3A_275 : memref<128xf32, #tpu.memory_space<hbm>>) target(%dma_start3A_272 : memref<128xf32, #tpu.memory_space<vmem>>) target_semaphore(%arg10 : memref<!tpu.dma_semaphore, #tpu.memory_space<semaphore_mem>>)
      %slice3A_276 = vector.extract_strided_slice %get3A_26 {offsets = [14], sizes = [1], strides = [1]} : vector<16xi32> to vector<1xi32>
      %squeeze3A_277 = vector.extract %slice3A_276[0] : i32 from vector<1xi32>
      %mul3A_278 = arith.constant 16 : i32
      %mul3A_279 = arith.muli %scan3A_22, %mul3A_278 : i32
      %add3A_280 = arith.constant 14 : i32
      %add3A_281 = arith.addi %mul3A_279, %add3A_280 : i32
      %dma_start3A_282 = arith.constant 0 : i32
      %dma_start3A_283 = tpu.memref_slice %arg9[%add3A_281, %dma_start3A_282] : memref<512x128xf32, #tpu.memory_space<vmem>> -> memref<1x128xf32, #tpu.memory_space<vmem>>
      %dma_start3A_284 = tpu.memref_squeeze %dma_start3A_283 : memref<1x128xf32, #tpu.memory_space<vmem>> -> memref<128xf32, #tpu.memory_space<vmem>>
      %dma_start3A_285 = arith.constant 0 : i32
      %dma_start3A_286 = tpu.memref_slice %arg4[%squeeze3A_277, %dma_start3A_285] : memref<1000000x128xf32, #tpu.memory_space<hbm>> -> memref<1x128xf32, #tpu.memory_space<hbm>>
      %dma_start3A_287 = tpu.memref_squeeze %dma_start3A_286 : memref<1x128xf32, #tpu.memory_space<hbm>> -> memref<128xf32, #tpu.memory_space<hbm>>
      %dma_start3A_288 = arith.constant 0 : i32
      %dma_start3A_289 = tpu.memref_slice %arg9[%add3A_281, %dma_start3A_288] : memref<512x128xf32, #tpu.memory_space<vmem>> -> memref<1x128xf32, #tpu.memory_space<vmem>>
      %dma_start3A_290 = tpu.memref_squeeze %dma_start3A_289 : memref<1x128xf32, #tpu.memory_space<vmem>> -> memref<128xf32, #tpu.memory_space<vmem>>
      %dma_start3A_291 = arith.constant 0 : i32
      %dma_start3A_292 = tpu.memref_slice %arg4[%squeeze3A_277, %dma_start3A_291] : memref<1000000x128xf32, #tpu.memory_space<hbm>> -> memref<1x128xf32, #tpu.memory_space<hbm>>
      %dma_start3A_293 = tpu.memref_squeeze %dma_start3A_292 : memref<1x128xf32, #tpu.memory_space<hbm>> -> memref<128xf32, #tpu.memory_space<hbm>>
      tpu.enqueue_dma source(%dma_start3A_293 : memref<128xf32, #tpu.memory_space<hbm>>) target(%dma_start3A_290 : memref<128xf32, #tpu.memory_space<vmem>>) target_semaphore(%arg10 : memref<!tpu.dma_semaphore, #tpu.memory_space<semaphore_mem>>)
      %slice3A_294 = vector.extract_strided_slice %get3A_26 {offsets = [15], sizes = [1], strides = [1]} : vector<16xi32> to vector<1xi32>
      %squeeze3A_295 = vector.extract %slice3A_294[0] : i32 from vector<1xi32>
      %mul3A_296 = arith.constant 16 : i32
      %mul3A_297 = arith.muli %scan3A_22, %mul3A_296 : i32
      %add3A_298 = arith.constant 15 : i32
      %add3A_299 = arith.addi %mul3A_297, %add3A_298 : i32
      %dma_start3A_300 = arith.constant 0 : i32
      %dma_start3A_301 = tpu.memref_slice %arg9[%add3A_299, %dma_start3A_300] : memref<512x128xf32, #tpu.memory_space<vmem>> -> memref<1x128xf32, #tpu.memory_space<vmem>>
      %dma_start3A_302 = tpu.memref_squeeze %dma_start3A_301 : memref<1x128xf32, #tpu.memory_space<vmem>> -> memref<128xf32, #tpu.memory_space<vmem>>
      %dma_start3A_303 = arith.constant 0 : i32
      %dma_start3A_304 = tpu.memref_slice %arg4[%squeeze3A_295, %dma_start3A_303] : memref<1000000x128xf32, #tpu.memory_space<hbm>> -> memref<1x128xf32, #tpu.memory_space<hbm>>
      %dma_start3A_305 = tpu.memref_squeeze %dma_start3A_304 : memref<1x128xf32, #tpu.memory_space<hbm>> -> memref<128xf32, #tpu.memory_space<hbm>>
      %dma_start3A_306 = arith.constant 0 : i32
      %dma_start3A_307 = tpu.memref_slice %arg9[%add3A_299, %dma_start3A_306] : memref<512x128xf32, #tpu.memory_space<vmem>> -> memref<1x128xf32, #tpu.memory_space<vmem>>
      %dma_start3A_308 = tpu.memref_squeeze %dma_start3A_307 : memref<1x128xf32, #tpu.memory_space<vmem>> -> memref<128xf32, #tpu.memory_space<vmem>>
      %dma_start3A_309 = arith.constant 0 : i32
      %dma_start3A_310 = tpu.memref_slice %arg4[%squeeze3A_295, %dma_start3A_309] : memref<1000000x128xf32, #tpu.memory_space<hbm>> -> memref<1x128xf32, #tpu.memory_space<hbm>>
      %dma_start3A_311 = tpu.memref_squeeze %dma_start3A_310 : memref<1x128xf32, #tpu.memory_space<hbm>> -> memref<128xf32, #tpu.memory_space<hbm>>
      tpu.enqueue_dma source(%dma_start3A_311 : memref<128xf32, #tpu.memory_space<hbm>>) target(%dma_start3A_308 : memref<128xf32, #tpu.memory_space<vmem>>) target_semaphore(%arg10 : memref<!tpu.dma_semaphore, #tpu.memory_space<semaphore_mem>>)
    }
    %scan3A_6 = arith.constant 32 : i32
    %scan3A_7 = arith.constant 0 : i32
    %scan3A_8 = arith.constant 512 : i32
    %scan3A_9 = arith.addi %scan3A_7, %scan3A_8 : i32
    %scan3A_10 = arith.constant 1 : i32
    scf.for %scan3A_22 = %scan3A_7 to %scan3A_9 step %scan3A_10  : i32 {
      %dma_wait3A = arith.constant 0 : i32
      %dma_wait3A_23 = arith.constant 0 : i32
      %dma_wait3A_24 = arith.constant 0 : i32
      %dma_wait3A_25 = tpu.memref_slice %arg9[%dma_wait3A_23, %dma_wait3A_24] : memref<512x128xf32, #tpu.memory_space<vmem>> -> memref<1x128xf32, #tpu.memory_space<vmem>>
      %dma_wait3A_26 = tpu.memref_squeeze %dma_wait3A_25 : memref<1x128xf32, #tpu.memory_space<vmem>> -> memref<128xf32, #tpu.memory_space<vmem>>
      %dma_wait3A_27 = arith.constant 0 : i32
      %dma_wait3A_28 = tpu.memref_slice %arg4[%dma_wait3A, %dma_wait3A_27] : memref<1000000x128xf32, #tpu.memory_space<hbm>> -> memref<1x128xf32, #tpu.memory_space<hbm>>
      %dma_wait3A_29 = tpu.memref_squeeze %dma_wait3A_28 : memref<1x128xf32, #tpu.memory_space<hbm>> -> memref<128xf32, #tpu.memory_space<hbm>>
      %dma_wait3A_30 = arith.constant 0 : i32
      %dma_wait3A_31 = tpu.memref_slice %arg9[%dma_wait3A_23, %dma_wait3A_30] : memref<512x128xf32, #tpu.memory_space<vmem>> -> memref<1x128xf32, #tpu.memory_space<vmem>>
      %dma_wait3A_32 = tpu.memref_squeeze %dma_wait3A_31 : memref<1x128xf32, #tpu.memory_space<vmem>> -> memref<128xf32, #tpu.memory_space<vmem>>
      %dma_wait3A_33 = arith.constant 0 : i32
      %dma_wait3A_34 = tpu.memref_slice %arg4[%dma_wait3A, %dma_wait3A_33] : memref<1000000x128xf32, #tpu.memory_space<hbm>> -> memref<1x128xf32, #tpu.memory_space<hbm>>
      %dma_wait3A_35 = tpu.memref_squeeze %dma_wait3A_34 : memref<1x128xf32, #tpu.memory_space<hbm>> -> memref<128xf32, #tpu.memory_space<hbm>>
      tpu.wait_dma2 semaphore(%arg10 : memref<!tpu.dma_semaphore, #tpu.memory_space<semaphore_mem>>) src(%dma_wait3A_35 : memref<128xf32, #tpu.memory_space<hbm>>) dst(%dma_wait3A_32 : memref<128xf32, #tpu.memory_space<vmem>>)
    }
    %scan3A_11 = arith.constant 512 : i32
    "tpu.region"() ({
      %run_scoped3A = tpu.sem_alloc : memref<!tpu.dma_semaphore, #tpu.memory_space<semaphore_mem>>
      %dma_start3A = arith.constant 0 : i32
      %dma_start3A_22 = tpu.memref_slice %arg5[%mul3A_2, %dma_start3A] : memref<16384x128xf32, #tpu.memory_space<hbm>> -> memref<512x128xf32, #tpu.memory_space<hbm>>
      %dma_start3A_23 = arith.constant 0 : i32
      %dma_start3A_24 = tpu.memref_slice %arg5[%mul3A_2, %dma_start3A_23] : memref<16384x128xf32, #tpu.memory_space<hbm>> -> memref<512x128xf32, #tpu.memory_space<hbm>>
      tpu.enqueue_dma source(%arg9 : memref<512x128xf32, #tpu.memory_space<vmem>>) target(%dma_start3A_24 : memref<512x128xf32, #tpu.memory_space<hbm>>) target_semaphore(%run_scoped3A : memref<!tpu.dma_semaphore, #tpu.memory_space<semaphore_mem>>)
      %dma_wait3A = arith.constant 0 : i32
      %dma_wait3A_25 = tpu.memref_slice %arg5[%mul3A_2, %dma_wait3A] : memref<16384x128xf32, #tpu.memory_space<hbm>> -> memref<512x128xf32, #tpu.memory_space<hbm>>
      %dma_wait3A_26 = arith.constant 0 : i32
      %dma_wait3A_27 = tpu.memref_slice %arg5[%mul3A_2, %dma_wait3A_26] : memref<16384x128xf32, #tpu.memory_space<hbm>> -> memref<512x128xf32, #tpu.memory_space<hbm>>
      tpu.wait_dma2 semaphore(%run_scoped3A : memref<!tpu.dma_semaphore, #tpu.memory_space<semaphore_mem>>) src(%arg9 : memref<512x128xf32, #tpu.memory_space<vmem>>) dst(%dma_wait3A_27 : memref<512x128xf32, #tpu.memory_space<hbm>>)
      tpu.yield
    }) : () -> ()
    %scan3A_12 = arith.constant 0 : i32
    %scan3A_13 = arith.constant 32 : i32
    %scan3A_14 = arith.addi %scan3A_12, %scan3A_13 : i32
    %scan3A_15 = arith.constant 1 : i32
    scf.for %scan3A_22 = %scan3A_12 to %scan3A_14 step %scan3A_15  : i32 {
      %mul3A_23 = arith.constant 16 : i32
      %mul3A_24 = arith.muli %scan3A_22, %mul3A_23 : i32
      %get3A = arith.index_cast %mul3A_24 : i32 to index
      %get3A_25 = tpu.vector_load %arg8[%get3A] {strides = array<i32>} : memref<512xi32, #tpu.memory_space<vmem>>, vector<16xi32>,
      %get3A_26 = vector.shape_cast %get3A_25 : vector<16xi32> to vector<16xi32>
      %slice3A = vector.extract_strided_slice %get3A_26 {offsets = [0], sizes = [1], strides = [1]} : vector<16xi32> to vector<1xi32>
      %squeeze3A = vector.extract %slice3A[0] : i32 from vector<1xi32>
      %mul3A_27 = arith.constant 16 : i32
      %mul3A_28 = arith.muli %scan3A_22, %mul3A_27 : i32
      %add3A_29 = arith.constant 0 : i32
      %add3A_30 = arith.addi %mul3A_28, %add3A_29 : i32
      %dma_start3A = arith.constant 0 : i32
      %dma_start3A_31 = tpu.memref_slice %arg9[%add3A_30, %dma_start3A] : memref<512x128xf32, #tpu.memory_space<vmem>> -> memref<1x128xf32, #tpu.memory_space<vmem>>
      %dma_start3A_32 = tpu.memref_squeeze %dma_start3A_31 : memref<1x128xf32, #tpu.memory_space<vmem>> -> memref<128xf32, #tpu.memory_space<vmem>>
      %dma_start3A_33 = arith.constant 0 : i32
      %dma_start3A_34 = tpu.memref_slice %arg4[%squeeze3A, %dma_start3A_33] : memref<1000000x128xf32, #tpu.memory_space<hbm>> -> memref<1x128xf32, #tpu.memory_space<hbm>>
      %dma_start3A_35 = tpu.memref_squeeze %dma_start3A_34 : memref<1x128xf32, #tpu.memory_space<hbm>> -> memref<128xf32, #tpu.memory_space<hbm>>
      %dma_start3A_36 = arith.constant 0 : i32
      %dma_start3A_37 = tpu.memref_slice %arg9[%add3A_30, %dma_start3A_36] : memref<512x128xf32, #tpu.memory_space<vmem>> -> memref<1x128xf32, #tpu.memory_space<vmem>>
      %dma_start3A_38 = tpu.memref_squeeze %dma_start3A_37 : memref<1x128xf32, #tpu.memory_space<vmem>> -> memref<128xf32, #tpu.memory_space<vmem>>
      %dma_start3A_39 = arith.constant 0 : i32
      %dma_start3A_40 = tpu.memref_slice %arg4[%squeeze3A, %dma_start3A_39] : memref<1000000x128xf32, #tpu.memory_space<hbm>> -> memref<1x128xf32, #tpu.memory_space<hbm>>
      %dma_start3A_41 = tpu.memref_squeeze %dma_start3A_40 : memref<1x128xf32, #tpu.memory_space<hbm>> -> memref<128xf32, #tpu.memory_space<hbm>>
      tpu.enqueue_dma source(%dma_start3A_41 : memref<128xf32, #tpu.memory_space<hbm>>) target(%dma_start3A_38 : memref<128xf32, #tpu.memory_space<vmem>>) target_semaphore(%arg10 : memref<!tpu.dma_semaphore, #tpu.memory_space<semaphore_mem>>)
      %slice3A_42 = vector.extract_strided_slice %get3A_26 {offsets = [1], sizes = [1], strides = [1]} : vector<16xi32> to vector<1xi32>
      %squeeze3A_43 = vector.extract %slice3A_42[0] : i32 from vector<1xi32>
      %mul3A_44 = arith.constant 16 : i32
      %mul3A_45 = arith.muli %scan3A_22, %mul3A_44 : i32
      %add3A_46 = arith.constant 1 : i32
      %add3A_47 = arith.addi %mul3A_45, %add3A_46 : i32
      %dma_start3A_48 = arith.constant 0 : i32
      %dma_start3A_49 = tpu.memref_slice %arg9[%add3A_47, %dma_start3A_48] : memref<512x128xf32, #tpu.memory_space<vmem>> -> memref<1x128xf32, #tpu.memory_space<vmem>>
      %dma_start3A_50 = tpu.memref_squeeze %dma_start3A_49 : memref<1x128xf32, #tpu.memory_space<vmem>> -> memref<128xf32, #tpu.memory_space<vmem>>
      %dma_start3A_51 = arith.constant 0 : i32
      %dma_start3A_52 = tpu.memref_slice %arg4[%squeeze3A_43, %dma_start3A_51] : memref<1000000x128xf32, #tpu.memory_space<hbm>> -> memref<1x128xf32, #tpu.memory_space<hbm>>
      %dma_start3A_53 = tpu.memref_squeeze %dma_start3A_52 : memref<1x128xf32, #tpu.memory_space<hbm>> -> memref<128xf32, #tpu.memory_space<hbm>>
      %dma_start3A_54 = arith.constant 0 : i32
      %dma_start3A_55 = tpu.memref_slice %arg9[%add3A_47, %dma_start3A_54] : memref<512x128xf32, #tpu.memory_space<vmem>> -> memref<1x128xf32, #tpu.memory_space<vmem>>
      %dma_start3A_56 = tpu.memref_squeeze %dma_start3A_55 : memref<1x128xf32, #tpu.memory_space<vmem>> -> memref<128xf32, #tpu.memory_space<vmem>>
      %dma_start3A_57 = arith.constant 0 : i32
      %dma_start3A_58 = tpu.memref_slice %arg4[%squeeze3A_43, %dma_start3A_57] : memref<1000000x128xf32, #tpu.memory_space<hbm>> -> memref<1x128xf32, #tpu.memory_space<hbm>>
      %dma_start3A_59 = tpu.memref_squeeze %dma_start3A_58 : memref<1x128xf32, #tpu.memory_space<hbm>> -> memref<128xf32, #tpu.memory_space<hbm>>
      tpu.enqueue_dma source(%dma_start3A_59 : memref<128xf32, #tpu.memory_space<hbm>>) target(%dma_start3A_56 : memref<128xf32, #tpu.memory_space<vmem>>) target_semaphore(%arg10 : memref<!tpu.dma_semaphore, #tpu.memory_space<semaphore_mem>>)
      %slice3A_60 = vector.extract_strided_slice %get3A_26 {offsets = [2], sizes = [1], strides = [1]} : vector<16xi32> to vector<1xi32>
      %squeeze3A_61 = vector.extract %slice3A_60[0] : i32 from vector<1xi32>
      %mul3A_62 = arith.constant 16 : i32
      %mul3A_63 = arith.muli %scan3A_22, %mul3A_62 : i32
      %add3A_64 = arith.constant 2 : i32
      %add3A_65 = arith.addi %mul3A_63, %add3A_64 : i32
      %dma_start3A_66 = arith.constant 0 : i32
      %dma_start3A_67 = tpu.memref_slice %arg9[%add3A_65, %dma_start3A_66] : memref<512x128xf32, #tpu.memory_space<vmem>> -> memref<1x128xf32, #tpu.memory_space<vmem>>
      %dma_start3A_68 = tpu.memref_squeeze %dma_start3A_67 : memref<1x128xf32, #tpu.memory_space<vmem>> -> memref<128xf32, #tpu.memory_space<vmem>>
      %dma_start3A_69 = arith.constant 0 : i32
      %dma_start3A_70 = tpu.memref_slice %arg4[%squeeze3A_61, %dma_start3A_69] : memref<1000000x128xf32, #tpu.memory_space<hbm>> -> memref<1x128xf32, #tpu.memory_space<hbm>>
      %dma_start3A_71 = tpu.memref_squeeze %dma_start3A_70 : memref<1x128xf32, #tpu.memory_space<hbm>> -> memref<128xf32, #tpu.memory_space<hbm>>
      %dma_start3A_72 = arith.constant 0 : i32
      %dma_start3A_73 = tpu.memref_slice %arg9[%add3A_65, %dma_start3A_72] : memref<512x128xf32, #tpu.memory_space<vmem>> -> memref<1x128xf32, #tpu.memory_space<vmem>>
      %dma_start3A_74 = tpu.memref_squeeze %dma_start3A_73 : memref<1x128xf32, #tpu.memory_space<vmem>> -> memref<128xf32, #tpu.memory_space<vmem>>
      %dma_start3A_75 = arith.constant 0 : i32
      %dma_start3A_76 = tpu.memref_slice %arg4[%squeeze3A_61, %dma_start3A_75] : memref<1000000x128xf32, #tpu.memory_space<hbm>> -> memref<1x128xf32, #tpu.memory_space<hbm>>
      %dma_start3A_77 = tpu.memref_squeeze %dma_start3A_76 : memref<1x128xf32, #tpu.memory_space<hbm>> -> memref<128xf32, #tpu.memory_space<hbm>>
      tpu.enqueue_dma source(%dma_start3A_77 : memref<128xf32, #tpu.memory_space<hbm>>) target(%dma_start3A_74 : memref<128xf32, #tpu.memory_space<vmem>>) target_semaphore(%arg10 : memref<!tpu.dma_semaphore, #tpu.memory_space<semaphore_mem>>)
      %slice3A_78 = vector.extract_strided_slice %get3A_26 {offsets = [3], sizes = [1], strides = [1]} : vector<16xi32> to vector<1xi32>
      %squeeze3A_79 = vector.extract %slice3A_78[0] : i32 from vector<1xi32>
      %mul3A_80 = arith.constant 16 : i32
      %mul3A_81 = arith.muli %scan3A_22, %mul3A_80 : i32
      %add3A_82 = arith.constant 3 : i32
      %add3A_83 = arith.addi %mul3A_81, %add3A_82 : i32
      %dma_start3A_84 = arith.constant 0 : i32
      %dma_start3A_85 = tpu.memref_slice %arg9[%add3A_83, %dma_start3A_84] : memref<512x128xf32, #tpu.memory_space<vmem>> -> memref<1x128xf32, #tpu.memory_space<vmem>>
      %dma_start3A_86 = tpu.memref_squeeze %dma_start3A_85 : memref<1x128xf32, #tpu.memory_space<vmem>> -> memref<128xf32, #tpu.memory_space<vmem>>
      %dma_start3A_87 = arith.constant 0 : i32
      %dma_start3A_88 = tpu.memref_slice %arg4[%squeeze3A_79, %dma_start3A_87] : memref<1000000x128xf32, #tpu.memory_space<hbm>> -> memref<1x128xf32, #tpu.memory_space<hbm>>
      %dma_start3A_89 = tpu.memref_squeeze %dma_start3A_88 : memref<1x128xf32, #tpu.memory_space<hbm>> -> memref<128xf32, #tpu.memory_space<hbm>>
      %dma_start3A_90 = arith.constant 0 : i32
      %dma_start3A_91 = tpu.memref_slice %arg9[%add3A_83, %dma_start3A_90] : memref<512x128xf32, #tpu.memory_space<vmem>> -> memref<1x128xf32, #tpu.memory_space<vmem>>
      %dma_start3A_92 = tpu.memref_squeeze %dma_start3A_91 : memref<1x128xf32, #tpu.memory_space<vmem>> -> memref<128xf32, #tpu.memory_space<vmem>>
      %dma_start3A_93 = arith.constant 0 : i32
      %dma_start3A_94 = tpu.memref_slice %arg4[%squeeze3A_79, %dma_start3A_93] : memref<1000000x128xf32, #tpu.memory_space<hbm>> -> memref<1x128xf32, #tpu.memory_space<hbm>>
      %dma_start3A_95 = tpu.memref_squeeze %dma_start3A_94 : memref<1x128xf32, #tpu.memory_space<hbm>> -> memref<128xf32, #tpu.memory_space<hbm>>
      tpu.enqueue_dma source(%dma_start3A_95 : memref<128xf32, #tpu.memory_space<hbm>>) target(%dma_start3A_92 : memref<128xf32, #tpu.memory_space<vmem>>) target_semaphore(%arg10 : memref<!tpu.dma_semaphore, #tpu.memory_space<semaphore_mem>>)
      %slice3A_96 = vector.extract_strided_slice %get3A_26 {offsets = [4], sizes = [1], strides = [1]} : vector<16xi32> to vector<1xi32>
      %squeeze3A_97 = vector.extract %slice3A_96[0] : i32 from vector<1xi32>
      %mul3A_98 = arith.constant 16 : i32
      %mul3A_99 = arith.muli %scan3A_22, %mul3A_98 : i32
      %add3A_100 = arith.constant 4 : i32
      %add3A_101 = arith.addi %mul3A_99, %add3A_100 : i32
      %dma_start3A_102 = arith.constant 0 : i32
      %dma_start3A_103 = tpu.memref_slice %arg9[%add3A_101, %dma_start3A_102] : memref<512x128xf32, #tpu.memory_space<vmem>> -> memref<1x128xf32, #tpu.memory_space<vmem>>
      %dma_start3A_104 = tpu.memref_squeeze %dma_start3A_103 : memref<1x128xf32, #tpu.memory_space<vmem>> -> memref<128xf32, #tpu.memory_space<vmem>>
      %dma_start3A_105 = arith.constant 0 : i32
      %dma_start3A_106 = tpu.memref_slice %arg4[%squeeze3A_97, %dma_start3A_105] : memref<1000000x128xf32, #tpu.memory_space<hbm>> -> memref<1x128xf32, #tpu.memory_space<hbm>>
      %dma_start3A_107 = tpu.memref_squeeze %dma_start3A_106 : memref<1x128xf32, #tpu.memory_space<hbm>> -> memref<128xf32, #tpu.memory_space<hbm>>
      %dma_start3A_108 = arith.constant 0 : i32
      %dma_start3A_109 = tpu.memref_slice %arg9[%add3A_101, %dma_start3A_108] : memref<512x128xf32, #tpu.memory_space<vmem>> -> memref<1x128xf32, #tpu.memory_space<vmem>>
      %dma_start3A_110 = tpu.memref_squeeze %dma_start3A_109 : memref<1x128xf32, #tpu.memory_space<vmem>> -> memref<128xf32, #tpu.memory_space<vmem>>
      %dma_start3A_111 = arith.constant 0 : i32
      %dma_start3A_112 = tpu.memref_slice %arg4[%squeeze3A_97, %dma_start3A_111] : memref<1000000x128xf32, #tpu.memory_space<hbm>> -> memref<1x128xf32, #tpu.memory_space<hbm>>
      %dma_start3A_113 = tpu.memref_squeeze %dma_start3A_112 : memref<1x128xf32, #tpu.memory_space<hbm>> -> memref<128xf32, #tpu.memory_space<hbm>>
      tpu.enqueue_dma source(%dma_start3A_113 : memref<128xf32, #tpu.memory_space<hbm>>) target(%dma_start3A_110 : memref<128xf32, #tpu.memory_space<vmem>>) target_semaphore(%arg10 : memref<!tpu.dma_semaphore, #tpu.memory_space<semaphore_mem>>)
      %slice3A_114 = vector.extract_strided_slice %get3A_26 {offsets = [5], sizes = [1], strides = [1]} : vector<16xi32> to vector<1xi32>
      %squeeze3A_115 = vector.extract %slice3A_114[0] : i32 from vector<1xi32>
      %mul3A_116 = arith.constant 16 : i32
      %mul3A_117 = arith.muli %scan3A_22, %mul3A_116 : i32
      %add3A_118 = arith.constant 5 : i32
      %add3A_119 = arith.addi %mul3A_117, %add3A_118 : i32
      %dma_start3A_120 = arith.constant 0 : i32
      %dma_start3A_121 = tpu.memref_slice %arg9[%add3A_119, %dma_start3A_120] : memref<512x128xf32, #tpu.memory_space<vmem>> -> memref<1x128xf32, #tpu.memory_space<vmem>>
      %dma_start3A_122 = tpu.memref_squeeze %dma_start3A_121 : memref<1x128xf32, #tpu.memory_space<vmem>> -> memref<128xf32, #tpu.memory_space<vmem>>
      %dma_start3A_123 = arith.constant 0 : i32
      %dma_start3A_124 = tpu.memref_slice %arg4[%squeeze3A_115, %dma_start3A_123] : memref<1000000x128xf32, #tpu.memory_space<hbm>> -> memref<1x128xf32, #tpu.memory_space<hbm>>
      %dma_start3A_125 = tpu.memref_squeeze %dma_start3A_124 : memref<1x128xf32, #tpu.memory_space<hbm>> -> memref<128xf32, #tpu.memory_space<hbm>>
      %dma_start3A_126 = arith.constant 0 : i32
      %dma_start3A_127 = tpu.memref_slice %arg9[%add3A_119, %dma_start3A_126] : memref<512x128xf32, #tpu.memory_space<vmem>> -> memref<1x128xf32, #tpu.memory_space<vmem>>
      %dma_start3A_128 = tpu.memref_squeeze %dma_start3A_127 : memref<1x128xf32, #tpu.memory_space<vmem>> -> memref<128xf32, #tpu.memory_space<vmem>>
      %dma_start3A_129 = arith.constant 0 : i32
      %dma_start3A_130 = tpu.memref_slice %arg4[%squeeze3A_115, %dma_start3A_129] : memref<1000000x128xf32, #tpu.memory_space<hbm>> -> memref<1x128xf32, #tpu.memory_space<hbm>>
      %dma_start3A_131 = tpu.memref_squeeze %dma_start3A_130 : memref<1x128xf32, #tpu.memory_space<hbm>> -> memref<128xf32, #tpu.memory_space<hbm>>
      tpu.enqueue_dma source(%dma_start3A_131 : memref<128xf32, #tpu.memory_space<hbm>>) target(%dma_start3A_128 : memref<128xf32, #tpu.memory_space<vmem>>) target_semaphore(%arg10 : memref<!tpu.dma_semaphore, #tpu.memory_space<semaphore_mem>>)
      %slice3A_132 = vector.extract_strided_slice %get3A_26 {offsets = [6], sizes = [1], strides = [1]} : vector<16xi32> to vector<1xi32>
      %squeeze3A_133 = vector.extract %slice3A_132[0] : i32 from vector<1xi32>
      %mul3A_134 = arith.constant 16 : i32
      %mul3A_135 = arith.muli %scan3A_22, %mul3A_134 : i32
      %add3A_136 = arith.constant 6 : i32
      %add3A_137 = arith.addi %mul3A_135, %add3A_136 : i32
      %dma_start3A_138 = arith.constant 0 : i32
      %dma_start3A_139 = tpu.memref_slice %arg9[%add3A_137, %dma_start3A_138] : memref<512x128xf32, #tpu.memory_space<vmem>> -> memref<1x128xf32, #tpu.memory_space<vmem>>
      %dma_start3A_140 = tpu.memref_squeeze %dma_start3A_139 : memref<1x128xf32, #tpu.memory_space<vmem>> -> memref<128xf32, #tpu.memory_space<vmem>>
      %dma_start3A_141 = arith.constant 0 : i32
      %dma_start3A_142 = tpu.memref_slice %arg4[%squeeze3A_133, %dma_start3A_141] : memref<1000000x128xf32, #tpu.memory_space<hbm>> -> memref<1x128xf32, #tpu.memory_space<hbm>>
      %dma_start3A_143 = tpu.memref_squeeze %dma_start3A_142 : memref<1x128xf32, #tpu.memory_space<hbm>> -> memref<128xf32, #tpu.memory_space<hbm>>
      %dma_start3A_144 = arith.constant 0 : i32
      %dma_start3A_145 = tpu.memref_slice %arg9[%add3A_137, %dma_start3A_144] : memref<512x128xf32, #tpu.memory_space<vmem>> -> memref<1x128xf32, #tpu.memory_space<vmem>>
      %dma_start3A_146 = tpu.memref_squeeze %dma_start3A_145 : memref<1x128xf32, #tpu.memory_space<vmem>> -> memref<128xf32, #tpu.memory_space<vmem>>
      %dma_start3A_147 = arith.constant 0 : i32
      %dma_start3A_148 = tpu.memref_slice %arg4[%squeeze3A_133, %dma_start3A_147] : memref<1000000x128xf32, #tpu.memory_space<hbm>> -> memref<1x128xf32, #tpu.memory_space<hbm>>
      %dma_start3A_149 = tpu.memref_squeeze %dma_start3A_148 : memref<1x128xf32, #tpu.memory_space<hbm>> -> memref<128xf32, #tpu.memory_space<hbm>>
      tpu.enqueue_dma source(%dma_start3A_149 : memref<128xf32, #tpu.memory_space<hbm>>) target(%dma_start3A_146 : memref<128xf32, #tpu.memory_space<vmem>>) target_semaphore(%arg10 : memref<!tpu.dma_semaphore, #tpu.memory_space<semaphore_mem>>)
      %slice3A_150 = vector.extract_strided_slice %get3A_26 {offsets = [7], sizes = [1], strides = [1]} : vector<16xi32> to vector<1xi32>
      %squeeze3A_151 = vector.extract %slice3A_150[0] : i32 from vector<1xi32>
      %mul3A_152 = arith.constant 16 : i32
      %mul3A_153 = arith.muli %scan3A_22, %mul3A_152 : i32
      %add3A_154 = arith.constant 7 : i32
      %add3A_155 = arith.addi %mul3A_153, %add3A_154 : i32
      %dma_start3A_156 = arith.constant 0 : i32
      %dma_start3A_157 = tpu.memref_slice %arg9[%add3A_155, %dma_start3A_156] : memref<512x128xf32, #tpu.memory_space<vmem>> -> memref<1x128xf32, #tpu.memory_space<vmem>>
      %dma_start3A_158 = tpu.memref_squeeze %dma_start3A_157 : memref<1x128xf32, #tpu.memory_space<vmem>> -> memref<128xf32, #tpu.memory_space<vmem>>
      %dma_start3A_159 = arith.constant 0 : i32
      %dma_start3A_160 = tpu.memref_slice %arg4[%squeeze3A_151, %dma_start3A_159] : memref<1000000x128xf32, #tpu.memory_space<hbm>> -> memref<1x128xf32, #tpu.memory_space<hbm>>
      %dma_start3A_161 = tpu.memref_squeeze %dma_start3A_160 : memref<1x128xf32, #tpu.memory_space<hbm>> -> memref<128xf32, #tpu.memory_space<hbm>>
      %dma_start3A_162 = arith.constant 0 : i32
      %dma_start3A_163 = tpu.memref_slice %arg9[%add3A_155, %dma_start3A_162] : memref<512x128xf32, #tpu.memory_space<vmem>> -> memref<1x128xf32, #tpu.memory_space<vmem>>
      %dma_start3A_164 = tpu.memref_squeeze %dma_start3A_163 : memref<1x128xf32, #tpu.memory_space<vmem>> -> memref<128xf32, #tpu.memory_space<vmem>>
      %dma_start3A_165 = arith.constant 0 : i32
      %dma_start3A_166 = tpu.memref_slice %arg4[%squeeze3A_151, %dma_start3A_165] : memref<1000000x128xf32, #tpu.memory_space<hbm>> -> memref<1x128xf32, #tpu.memory_space<hbm>>
      %dma_start3A_167 = tpu.memref_squeeze %dma_start3A_166 : memref<1x128xf32, #tpu.memory_space<hbm>> -> memref<128xf32, #tpu.memory_space<hbm>>
      tpu.enqueue_dma source(%dma_start3A_167 : memref<128xf32, #tpu.memory_space<hbm>>) target(%dma_start3A_164 : memref<128xf32, #tpu.memory_space<vmem>>) target_semaphore(%arg10 : memref<!tpu.dma_semaphore, #tpu.memory_space<semaphore_mem>>)
      %slice3A_168 = vector.extract_strided_slice %get3A_26 {offsets = [8], sizes = [1], strides = [1]} : vector<16xi32> to vector<1xi32>
      %squeeze3A_169 = vector.extract %slice3A_168[0] : i32 from vector<1xi32>
      %mul3A_170 = arith.constant 16 : i32
      %mul3A_171 = arith.muli %scan3A_22, %mul3A_170 : i32
      %add3A_172 = arith.constant 8 : i32
      %add3A_173 = arith.addi %mul3A_171, %add3A_172 : i32
      %dma_start3A_174 = arith.constant 0 : i32
      %dma_start3A_175 = tpu.memref_slice %arg9[%add3A_173, %dma_start3A_174] : memref<512x128xf32, #tpu.memory_space<vmem>> -> memref<1x128xf32, #tpu.memory_space<vmem>>
      %dma_start3A_176 = tpu.memref_squeeze %dma_start3A_175 : memref<1x128xf32, #tpu.memory_space<vmem>> -> memref<128xf32, #tpu.memory_space<vmem>>
      %dma_start3A_177 = arith.constant 0 : i32
      %dma_start3A_178 = tpu.memref_slice %arg4[%squeeze3A_169, %dma_start3A_177] : memref<1000000x128xf32, #tpu.memory_space<hbm>> -> memref<1x128xf32, #tpu.memory_space<hbm>>
      %dma_start3A_179 = tpu.memref_squeeze %dma_start3A_178 : memref<1x128xf32, #tpu.memory_space<hbm>> -> memref<128xf32, #tpu.memory_space<hbm>>
      %dma_start3A_180 = arith.constant 0 : i32
      %dma_start3A_181 = tpu.memref_slice %arg9[%add3A_173, %dma_start3A_180] : memref<512x128xf32, #tpu.memory_space<vmem>> -> memref<1x128xf32, #tpu.memory_space<vmem>>
      %dma_start3A_182 = tpu.memref_squeeze %dma_start3A_181 : memref<1x128xf32, #tpu.memory_space<vmem>> -> memref<128xf32, #tpu.memory_space<vmem>>
      %dma_start3A_183 = arith.constant 0 : i32
      %dma_start3A_184 = tpu.memref_slice %arg4[%squeeze3A_169, %dma_start3A_183] : memref<1000000x128xf32, #tpu.memory_space<hbm>> -> memref<1x128xf32, #tpu.memory_space<hbm>>
      %dma_start3A_185 = tpu.memref_squeeze %dma_start3A_184 : memref<1x128xf32, #tpu.memory_space<hbm>> -> memref<128xf32, #tpu.memory_space<hbm>>
      tpu.enqueue_dma source(%dma_start3A_185 : memref<128xf32, #tpu.memory_space<hbm>>) target(%dma_start3A_182 : memref<128xf32, #tpu.memory_space<vmem>>) target_semaphore(%arg10 : memref<!tpu.dma_semaphore, #tpu.memory_space<semaphore_mem>>)
      %slice3A_186 = vector.extract_strided_slice %get3A_26 {offsets = [9], sizes = [1], strides = [1]} : vector<16xi32> to vector<1xi32>
      %squeeze3A_187 = vector.extract %slice3A_186[0] : i32 from vector<1xi32>
      %mul3A_188 = arith.constant 16 : i32
      %mul3A_189 = arith.muli %scan3A_22, %mul3A_188 : i32
      %add3A_190 = arith.constant 9 : i32
      %add3A_191 = arith.addi %mul3A_189, %add3A_190 : i32
      %dma_start3A_192 = arith.constant 0 : i32
      %dma_start3A_193 = tpu.memref_slice %arg9[%add3A_191, %dma_start3A_192] : memref<512x128xf32, #tpu.memory_space<vmem>> -> memref<1x128xf32, #tpu.memory_space<vmem>>
      %dma_start3A_194 = tpu.memref_squeeze %dma_start3A_193 : memref<1x128xf32, #tpu.memory_space<vmem>> -> memref<128xf32, #tpu.memory_space<vmem>>
      %dma_start3A_195 = arith.constant 0 : i32
      %dma_start3A_196 = tpu.memref_slice %arg4[%squeeze3A_187, %dma_start3A_195] : memref<1000000x128xf32, #tpu.memory_space<hbm>> -> memref<1x128xf32, #tpu.memory_space<hbm>>
      %dma_start3A_197 = tpu.memref_squeeze %dma_start3A_196 : memref<1x128xf32, #tpu.memory_space<hbm>> -> memref<128xf32, #tpu.memory_space<hbm>>
      %dma_start3A_198 = arith.constant 0 : i32
      %dma_start3A_199 = tpu.memref_slice %arg9[%add3A_191, %dma_start3A_198] : memref<512x128xf32, #tpu.memory_space<vmem>> -> memref<1x128xf32, #tpu.memory_space<vmem>>
      %dma_start3A_200 = tpu.memref_squeeze %dma_start3A_199 : memref<1x128xf32, #tpu.memory_space<vmem>> -> memref<128xf32, #tpu.memory_space<vmem>>
      %dma_start3A_201 = arith.constant 0 : i32
      %dma_start3A_202 = tpu.memref_slice %arg4[%squeeze3A_187, %dma_start3A_201] : memref<1000000x128xf32, #tpu.memory_space<hbm>> -> memref<1x128xf32, #tpu.memory_space<hbm>>
      %dma_start3A_203 = tpu.memref_squeeze %dma_start3A_202 : memref<1x128xf32, #tpu.memory_space<hbm>> -> memref<128xf32, #tpu.memory_space<hbm>>
      tpu.enqueue_dma source(%dma_start3A_203 : memref<128xf32, #tpu.memory_space<hbm>>) target(%dma_start3A_200 : memref<128xf32, #tpu.memory_space<vmem>>) target_semaphore(%arg10 : memref<!tpu.dma_semaphore, #tpu.memory_space<semaphore_mem>>)
      %slice3A_204 = vector.extract_strided_slice %get3A_26 {offsets = [10], sizes = [1], strides = [1]} : vector<16xi32> to vector<1xi32>
      %squeeze3A_205 = vector.extract %slice3A_204[0] : i32 from vector<1xi32>
      %mul3A_206 = arith.constant 16 : i32
      %mul3A_207 = arith.muli %scan3A_22, %mul3A_206 : i32
      %add3A_208 = arith.constant 10 : i32
      %add3A_209 = arith.addi %mul3A_207, %add3A_208 : i32
      %dma_start3A_210 = arith.constant 0 : i32
      %dma_start3A_211 = tpu.memref_slice %arg9[%add3A_209, %dma_start3A_210] : memref<512x128xf32, #tpu.memory_space<vmem>> -> memref<1x128xf32, #tpu.memory_space<vmem>>
      %dma_start3A_212 = tpu.memref_squeeze %dma_start3A_211 : memref<1x128xf32, #tpu.memory_space<vmem>> -> memref<128xf32, #tpu.memory_space<vmem>>
      %dma_start3A_213 = arith.constant 0 : i32
      %dma_start3A_214 = tpu.memref_slice %arg4[%squeeze3A_205, %dma_start3A_213] : memref<1000000x128xf32, #tpu.memory_space<hbm>> -> memref<1x128xf32, #tpu.memory_space<hbm>>
      %dma_start3A_215 = tpu.memref_squeeze %dma_start3A_214 : memref<1x128xf32, #tpu.memory_space<hbm>> -> memref<128xf32, #tpu.memory_space<hbm>>
      %dma_start3A_216 = arith.constant 0 : i32
      %dma_start3A_217 = tpu.memref_slice %arg9[%add3A_209, %dma_start3A_216] : memref<512x128xf32, #tpu.memory_space<vmem>> -> memref<1x128xf32, #tpu.memory_space<vmem>>
      %dma_start3A_218 = tpu.memref_squeeze %dma_start3A_217 : memref<1x128xf32, #tpu.memory_space<vmem>> -> memref<128xf32, #tpu.memory_space<vmem>>
      %dma_start3A_219 = arith.constant 0 : i32
      %dma_start3A_220 = tpu.memref_slice %arg4[%squeeze3A_205, %dma_start3A_219] : memref<1000000x128xf32, #tpu.memory_space<hbm>> -> memref<1x128xf32, #tpu.memory_space<hbm>>
      %dma_start3A_221 = tpu.memref_squeeze %dma_start3A_220 : memref<1x128xf32, #tpu.memory_space<hbm>> -> memref<128xf32, #tpu.memory_space<hbm>>
      tpu.enqueue_dma source(%dma_start3A_221 : memref<128xf32, #tpu.memory_space<hbm>>) target(%dma_start3A_218 : memref<128xf32, #tpu.memory_space<vmem>>) target_semaphore(%arg10 : memref<!tpu.dma_semaphore, #tpu.memory_space<semaphore_mem>>)
      %slice3A_222 = vector.extract_strided_slice %get3A_26 {offsets = [11], sizes = [1], strides = [1]} : vector<16xi32> to vector<1xi32>
      %squeeze3A_223 = vector.extract %slice3A_222[0] : i32 from vector<1xi32>
      %mul3A_224 = arith.constant 16 : i32
      %mul3A_225 = arith.muli %scan3A_22, %mul3A_224 : i32
      %add3A_226 = arith.constant 11 : i32
      %add3A_227 = arith.addi %mul3A_225, %add3A_226 : i32
      %dma_start3A_228 = arith.constant 0 : i32
      %dma_start3A_229 = tpu.memref_slice %arg9[%add3A_227, %dma_start3A_228] : memref<512x128xf32, #tpu.memory_space<vmem>> -> memref<1x128xf32, #tpu.memory_space<vmem>>
      %dma_start3A_230 = tpu.memref_squeeze %dma_start3A_229 : memref<1x128xf32, #tpu.memory_space<vmem>> -> memref<128xf32, #tpu.memory_space<vmem>>
      %dma_start3A_231 = arith.constant 0 : i32
      %dma_start3A_232 = tpu.memref_slice %arg4[%squeeze3A_223, %dma_start3A_231] : memref<1000000x128xf32, #tpu.memory_space<hbm>> -> memref<1x128xf32, #tpu.memory_space<hbm>>
      %dma_start3A_233 = tpu.memref_squeeze %dma_start3A_232 : memref<1x128xf32, #tpu.memory_space<hbm>> -> memref<128xf32, #tpu.memory_space<hbm>>
      %dma_start3A_234 = arith.constant 0 : i32
      %dma_start3A_235 = tpu.memref_slice %arg9[%add3A_227, %dma_start3A_234] : memref<512x128xf32, #tpu.memory_space<vmem>> -> memref<1x128xf32, #tpu.memory_space<vmem>>
      %dma_start3A_236 = tpu.memref_squeeze %dma_start3A_235 : memref<1x128xf32, #tpu.memory_space<vmem>> -> memref<128xf32, #tpu.memory_space<vmem>>
      %dma_start3A_237 = arith.constant 0 : i32
      %dma_start3A_238 = tpu.memref_slice %arg4[%squeeze3A_223, %dma_start3A_237] : memref<1000000x128xf32, #tpu.memory_space<hbm>> -> memref<1x128xf32, #tpu.memory_space<hbm>>
      %dma_start3A_239 = tpu.memref_squeeze %dma_start3A_238 : memref<1x128xf32, #tpu.memory_space<hbm>> -> memref<128xf32, #tpu.memory_space<hbm>>
      tpu.enqueue_dma source(%dma_start3A_239 : memref<128xf32, #tpu.memory_space<hbm>>) target(%dma_start3A_236 : memref<128xf32, #tpu.memory_space<vmem>>) target_semaphore(%arg10 : memref<!tpu.dma_semaphore, #tpu.memory_space<semaphore_mem>>)
      %slice3A_240 = vector.extract_strided_slice %get3A_26 {offsets = [12], sizes = [1], strides = [1]} : vector<16xi32> to vector<1xi32>
      %squeeze3A_241 = vector.extract %slice3A_240[0] : i32 from vector<1xi32>
      %mul3A_242 = arith.constant 16 : i32
      %mul3A_243 = arith.muli %scan3A_22, %mul3A_242 : i32
      %add3A_244 = arith.constant 12 : i32
      %add3A_245 = arith.addi %mul3A_243, %add3A_244 : i32
      %dma_start3A_246 = arith.constant 0 : i32
      %dma_start3A_247 = tpu.memref_slice %arg9[%add3A_245, %dma_start3A_246] : memref<512x128xf32, #tpu.memory_space<vmem>> -> memref<1x128xf32, #tpu.memory_space<vmem>>
      %dma_start3A_248 = tpu.memref_squeeze %dma_start3A_247 : memref<1x128xf32, #tpu.memory_space<vmem>> -> memref<128xf32, #tpu.memory_space<vmem>>
      %dma_start3A_249 = arith.constant 0 : i32
      %dma_start3A_250 = tpu.memref_slice %arg4[%squeeze3A_241, %dma_start3A_249] : memref<1000000x128xf32, #tpu.memory_space<hbm>> -> memref<1x128xf32, #tpu.memory_space<hbm>>
      %dma_start3A_251 = tpu.memref_squeeze %dma_start3A_250 : memref<1x128xf32, #tpu.memory_space<hbm>> -> memref<128xf32, #tpu.memory_space<hbm>>
      %dma_start3A_252 = arith.constant 0 : i32
      %dma_start3A_253 = tpu.memref_slice %arg9[%add3A_245, %dma_start3A_252] : memref<512x128xf32, #tpu.memory_space<vmem>> -> memref<1x128xf32, #tpu.memory_space<vmem>>
      %dma_start3A_254 = tpu.memref_squeeze %dma_start3A_253 : memref<1x128xf32, #tpu.memory_space<vmem>> -> memref<128xf32, #tpu.memory_space<vmem>>
      %dma_start3A_255 = arith.constant 0 : i32
      %dma_start3A_256 = tpu.memref_slice %arg4[%squeeze3A_241, %dma_start3A_255] : memref<1000000x128xf32, #tpu.memory_space<hbm>> -> memref<1x128xf32, #tpu.memory_space<hbm>>
      %dma_start3A_257 = tpu.memref_squeeze %dma_start3A_256 : memref<1x128xf32, #tpu.memory_space<hbm>> -> memref<128xf32, #tpu.memory_space<hbm>>
      tpu.enqueue_dma source(%dma_start3A_257 : memref<128xf32, #tpu.memory_space<hbm>>) target(%dma_start3A_254 : memref<128xf32, #tpu.memory_space<vmem>>) target_semaphore(%arg10 : memref<!tpu.dma_semaphore, #tpu.memory_space<semaphore_mem>>)
      %slice3A_258 = vector.extract_strided_slice %get3A_26 {offsets = [13], sizes = [1], strides = [1]} : vector<16xi32> to vector<1xi32>
      %squeeze3A_259 = vector.extract %slice3A_258[0] : i32 from vector<1xi32>
      %mul3A_260 = arith.constant 16 : i32
      %mul3A_261 = arith.muli %scan3A_22, %mul3A_260 : i32
      %add3A_262 = arith.constant 13 : i32
      %add3A_263 = arith.addi %mul3A_261, %add3A_262 : i32
      %dma_start3A_264 = arith.constant 0 : i32
      %dma_start3A_265 = tpu.memref_slice %arg9[%add3A_263, %dma_start3A_264] : memref<512x128xf32, #tpu.memory_space<vmem>> -> memref<1x128xf32, #tpu.memory_space<vmem>>
      %dma_start3A_266 = tpu.memref_squeeze %dma_start3A_265 : memref<1x128xf32, #tpu.memory_space<vmem>> -> memref<128xf32, #tpu.memory_space<vmem>>
      %dma_start3A_267 = arith.constant 0 : i32
      %dma_start3A_268 = tpu.memref_slice %arg4[%squeeze3A_259, %dma_start3A_267] : memref<1000000x128xf32, #tpu.memory_space<hbm>> -> memref<1x128xf32, #tpu.memory_space<hbm>>
      %dma_start3A_269 = tpu.memref_squeeze %dma_start3A_268 : memref<1x128xf32, #tpu.memory_space<hbm>> -> memref<128xf32, #tpu.memory_space<hbm>>
      %dma_start3A_270 = arith.constant 0 : i32
      %dma_start3A_271 = tpu.memref_slice %arg9[%add3A_263, %dma_start3A_270] : memref<512x128xf32, #tpu.memory_space<vmem>> -> memref<1x128xf32, #tpu.memory_space<vmem>>
      %dma_start3A_272 = tpu.memref_squeeze %dma_start3A_271 : memref<1x128xf32, #tpu.memory_space<vmem>> -> memref<128xf32, #tpu.memory_space<vmem>>
      %dma_start3A_273 = arith.constant 0 : i32
      %dma_start3A_274 = tpu.memref_slice %arg4[%squeeze3A_259, %dma_start3A_273] : memref<1000000x128xf32, #tpu.memory_space<hbm>> -> memref<1x128xf32, #tpu.memory_space<hbm>>
      %dma_start3A_275 = tpu.memref_squeeze %dma_start3A_274 : memref<1x128xf32, #tpu.memory_space<hbm>> -> memref<128xf32, #tpu.memory_space<hbm>>
      tpu.enqueue_dma source(%dma_start3A_275 : memref<128xf32, #tpu.memory_space<hbm>>) target(%dma_start3A_272 : memref<128xf32, #tpu.memory_space<vmem>>) target_semaphore(%arg10 : memref<!tpu.dma_semaphore, #tpu.memory_space<semaphore_mem>>)
      %slice3A_276 = vector.extract_strided_slice %get3A_26 {offsets = [14], sizes = [1], strides = [1]} : vector<16xi32> to vector<1xi32>
      %squeeze3A_277 = vector.extract %slice3A_276[0] : i32 from vector<1xi32>
      %mul3A_278 = arith.constant 16 : i32
      %mul3A_279 = arith.muli %scan3A_22, %mul3A_278 : i32
      %add3A_280 = arith.constant 14 : i32
      %add3A_281 = arith.addi %mul3A_279, %add3A_280 : i32
      %dma_start3A_282 = arith.constant 0 : i32
      %dma_start3A_283 = tpu.memref_slice %arg9[%add3A_281, %dma_start3A_282] : memref<512x128xf32, #tpu.memory_space<vmem>> -> memref<1x128xf32, #tpu.memory_space<vmem>>
      %dma_start3A_284 = tpu.memref_squeeze %dma_start3A_283 : memref<1x128xf32, #tpu.memory_space<vmem>> -> memref<128xf32, #tpu.memory_space<vmem>>
      %dma_start3A_285 = arith.constant 0 : i32
      %dma_start3A_286 = tpu.memref_slice %arg4[%squeeze3A_277, %dma_start3A_285] : memref<1000000x128xf32, #tpu.memory_space<hbm>> -> memref<1x128xf32, #tpu.memory_space<hbm>>
      %dma_start3A_287 = tpu.memref_squeeze %dma_start3A_286 : memref<1x128xf32, #tpu.memory_space<hbm>> -> memref<128xf32, #tpu.memory_space<hbm>>
      %dma_start3A_288 = arith.constant 0 : i32
      %dma_start3A_289 = tpu.memref_slice %arg9[%add3A_281, %dma_start3A_288] : memref<512x128xf32, #tpu.memory_space<vmem>> -> memref<1x128xf32, #tpu.memory_space<vmem>>
      %dma_start3A_290 = tpu.memref_squeeze %dma_start3A_289 : memref<1x128xf32, #tpu.memory_space<vmem>> -> memref<128xf32, #tpu.memory_space<vmem>>
      %dma_start3A_291 = arith.constant 0 : i32
      %dma_start3A_292 = tpu.memref_slice %arg4[%squeeze3A_277, %dma_start3A_291] : memref<1000000x128xf32, #tpu.memory_space<hbm>> -> memref<1x128xf32, #tpu.memory_space<hbm>>
      %dma_start3A_293 = tpu.memref_squeeze %dma_start3A_292 : memref<1x128xf32, #tpu.memory_space<hbm>> -> memref<128xf32, #tpu.memory_space<hbm>>
      tpu.enqueue_dma source(%dma_start3A_293 : memref<128xf32, #tpu.memory_space<hbm>>) target(%dma_start3A_290 : memref<128xf32, #tpu.memory_space<vmem>>) target_semaphore(%arg10 : memref<!tpu.dma_semaphore, #tpu.memory_space<semaphore_mem>>)
      %slice3A_294 = vector.extract_strided_slice %get3A_26 {offsets = [15], sizes = [1], strides = [1]} : vector<16xi32> to vector<1xi32>
      %squeeze3A_295 = vector.extract %slice3A_294[0] : i32 from vector<1xi32>
      %mul3A_296 = arith.constant 16 : i32
      %mul3A_297 = arith.muli %scan3A_22, %mul3A_296 : i32
      %add3A_298 = arith.constant 15 : i32
      %add3A_299 = arith.addi %mul3A_297, %add3A_298 : i32
      %dma_start3A_300 = arith.constant 0 : i32
      %dma_start3A_301 = tpu.memref_slice %arg9[%add3A_299, %dma_start3A_300] : memref<512x128xf32, #tpu.memory_space<vmem>> -> memref<1x128xf32, #tpu.memory_space<vmem>>
      %dma_start3A_302 = tpu.memref_squeeze %dma_start3A_301 : memref<1x128xf32, #tpu.memory_space<vmem>> -> memref<128xf32, #tpu.memory_space<vmem>>
      %dma_start3A_303 = arith.constant 0 : i32
      %dma_start3A_304 = tpu.memref_slice %arg4[%squeeze3A_295, %dma_start3A_303] : memref<1000000x128xf32, #tpu.memory_space<hbm>> -> memref<1x128xf32, #tpu.memory_space<hbm>>
      %dma_start3A_305 = tpu.memref_squeeze %dma_start3A_304 : memref<1x128xf32, #tpu.memory_space<hbm>> -> memref<128xf32, #tpu.memory_space<hbm>>
      %dma_start3A_306 = arith.constant 0 : i32
      %dma_start3A_307 = tpu.memref_slice %arg9[%add3A_299, %dma_start3A_306] : memref<512x128xf32, #tpu.memory_space<vmem>> -> memref<1x128xf32, #tpu.memory_space<vmem>>
      %dma_start3A_308 = tpu.memref_squeeze %dma_start3A_307 : memref<1x128xf32, #tpu.memory_space<vmem>> -> memref<128xf32, #tpu.memory_space<vmem>>
      %dma_start3A_309 = arith.constant 0 : i32
      %dma_start3A_310 = tpu.memref_slice %arg4[%squeeze3A_295, %dma_start3A_309] : memref<1000000x128xf32, #tpu.memory_space<hbm>> -> memref<1x128xf32, #tpu.memory_space<hbm>>
      %dma_start3A_311 = tpu.memref_squeeze %dma_start3A_310 : memref<1x128xf32, #tpu.memory_space<hbm>> -> memref<128xf32, #tpu.memory_space<hbm>>
      tpu.enqueue_dma source(%dma_start3A_311 : memref<128xf32, #tpu.memory_space<hbm>>) target(%dma_start3A_308 : memref<128xf32, #tpu.memory_space<vmem>>) target_semaphore(%arg10 : memref<!tpu.dma_semaphore, #tpu.memory_space<semaphore_mem>>)
    }
    %scan3A_16 = arith.constant 32 : i32
    %scan3A_17 = arith.constant 0 : i32
    %scan3A_18 = arith.constant 512 : i32
    %scan3A_19 = arith.addi %scan3A_17, %scan3A_18 : i32
    %scan3A_20 = arith.constant 1 : i32
    scf.for %scan3A_22 = %scan3A_17 to %scan3A_19 step %scan3A_20  : i32 {
      %dma_wait3A = arith.constant 0 : i32
      %dma_wait3A_23 = arith.constant 0 : i32
      %dma_wait3A_24 = arith.constant 0 : i32
      %dma_wait3A_25 = tpu.memref_slice %arg9[%dma_wait3A_23, %dma_wait3A_24] : memref<512x128xf32, #tpu.memory_space<vmem>> -> memref<1x128xf32, #tpu.memory_space<vmem>>
      %dma_wait3A_26 = tpu.memref_squeeze %dma_wait3A_25 : memref<1x128xf32, #tpu.memory_space<vmem>> -> memref<128xf32, #tpu.memory_space<vmem>>
      %dma_wait3A_27 = arith.constant 0 : i32
      %dma_wait3A_28 = tpu.memref_slice %arg4[%dma_wait3A, %dma_wait3A_27] : memref<1000000x128xf32, #tpu.memory_space<hbm>> -> memref<1x128xf32, #tpu.memory_space<hbm>>
      %dma_wait3A_29 = tpu.memref_squeeze %dma_wait3A_28 : memref<1x128xf32, #tpu.memory_space<hbm>> -> memref<128xf32, #tpu.memory_space<hbm>>
      %dma_wait3A_30 = arith.constant 0 : i32
      %dma_wait3A_31 = tpu.memref_slice %arg9[%dma_wait3A_23, %dma_wait3A_30] : memref<512x128xf32, #tpu.memory_space<vmem>> -> memref<1x128xf32, #tpu.memory_space<vmem>>
      %dma_wait3A_32 = tpu.memref_squeeze %dma_wait3A_31 : memref<1x128xf32, #tpu.memory_space<vmem>> -> memref<128xf32, #tpu.memory_space<vmem>>
      %dma_wait3A_33 = arith.constant 0 : i32
      %dma_wait3A_34 = tpu.memref_slice %arg4[%dma_wait3A, %dma_wait3A_33] : memref<1000000x128xf32, #tpu.memory_space<hbm>> -> memref<1x128xf32, #tpu.memory_space<hbm>>
      %dma_wait3A_35 = tpu.memref_squeeze %dma_wait3A_34 : memref<1x128xf32, #tpu.memory_space<hbm>> -> memref<128xf32, #tpu.memory_space<hbm>>
      tpu.wait_dma2 semaphore(%arg10 : memref<!tpu.dma_semaphore, #tpu.memory_space<semaphore_mem>>) src(%dma_wait3A_35 : memref<128xf32, #tpu.memory_space<hbm>>) dst(%dma_wait3A_32 : memref<128xf32, #tpu.memory_space<vmem>>)
    }
    %scan3A_21 = arith.constant 512 : i32
    "tpu.region"() ({
      %run_scoped3A = tpu.sem_alloc : memref<!tpu.dma_semaphore, #tpu.memory_space<semaphore_mem>>
      %dma_start3A = arith.constant 0 : i32
      %dma_start3A_22 = tpu.memref_slice %arg6[%mul3A_2, %dma_start3A] : memref<16384x128xf32, #tpu.memory_space<hbm>> -> memref<512x128xf32, #tpu.memory_space<hbm>>
      %dma_start3A_23 = arith.constant 0 : i32
      %dma_start3A_24 = tpu.memref_slice %arg6[%mul3A_2, %dma_start3A_23] : memref<16384x128xf32, #tpu.memory_space<hbm>> -> memref<512x128xf32, #tpu.memory_space<hbm>>
      tpu.enqueue_dma source(%arg9 : memref<512x128xf32, #tpu.memory_space<vmem>>) target(%dma_start3A_24 : memref<512x128xf32, #tpu.memory_space<hbm>>) target_semaphore(%run_scoped3A : memref<!tpu.dma_semaphore, #tpu.memory_space<semaphore_mem>>)
      %dma_wait3A = arith.constant 0 : i32
      %dma_wait3A_25 = tpu.memref_slice %arg6[%mul3A_2, %dma_wait3A] : memref<16384x128xf32, #tpu.memory_space<hbm>> -> memref<512x128xf32, #tpu.memory_space<hbm>>
      %dma_wait3A_26 = arith.constant 0 : i32
      %dma_wait3A_27 = tpu.memref_slice %arg6[%mul3A_2, %dma_wait3A_26] : memref<16384x128xf32, #tpu.memory_space<hbm>> -> memref<512x128xf32, #tpu.memory_space<hbm>>
      tpu.wait_dma2 semaphore(%run_scoped3A : memref<!tpu.dma_semaphore, #tpu.memory_space<semaphore_mem>>) src(%arg9 : memref<512x128xf32, #tpu.memory_space<vmem>>) dst(%dma_wait3A_27 : memref<512x128xf32, #tpu.memory_space<hbm>>)
      tpu.yield
    }) : () -> ()
    return
  }
}

module attributes {stable_mosaic.version = 14 : i64} {
  func.func @body(%arg0: i32, %arg1: memref<32x4096xf32, #tpu.memory_space<vmem>>, %arg2: memref<32x4096xf32, #tpu.memory_space<vmem>>, %arg3: memref<32x4096xf32, #tpu.memory_space<vmem>>, %arg4: memref<32x4096xf32, #tpu.memory_space<vmem>>, %arg5: memref<4096x128xf32, #tpu.memory_space<vmem>>) attributes {dimension_semantics = [#tpu.dimension_semantics<arbitrary>], iteration_bounds = array<i64: 245>, scalar_prefetch = 0 : i64, scratch_operands = 0 : i64, tpu.core_type = #tpu.core_type<tc>, window_params = [{transform_indices = @transform_0, window_bounds = array<i64: 32, 4096>}, {transform_indices = @transform_1, window_bounds = array<i64: 32, 4096>}, {transform_indices = @transform_2, window_bounds = array<i64: 32, 4096>}, {transform_indices = @transform_3, window_bounds = array<i64: 32, 4096>}, {transform_indices = @transform_4, window_bounds = array<i64: 4096, 128>}]} {
    %get3A = arith.constant 0 : index
    %get3A_0 = arith.constant 0 : index
    %get3A_1 = vector.load %arg1[%get3A, %get3A_0] : memref<32x4096xf32, #tpu.memory_space<vmem>>, vector<32x4096xf32>
    %transpose3A = tpu.transpose %get3A_1, [1, 0] : vector<32x4096xf32> -> vector<4096x32xf32>
    %get3A_2 = arith.constant 0 : index
    %get3A_3 = arith.constant 0 : index
    %get3A_4 = vector.load %arg2[%get3A_2, %get3A_3] : memref<32x4096xf32, #tpu.memory_space<vmem>>, vector<32x4096xf32>
    %transpose3A_5 = tpu.transpose %get3A_4, [1, 0] : vector<32x4096xf32> -> vector<4096x32xf32>
    %get3A_6 = arith.constant 0 : index
    %get3A_7 = arith.constant 0 : index
    %get3A_8 = vector.load %arg3[%get3A_6, %get3A_7] : memref<32x4096xf32, #tpu.memory_space<vmem>>, vector<32x4096xf32>
    %transpose3A_9 = tpu.transpose %get3A_8, [1, 0] : vector<32x4096xf32> -> vector<4096x32xf32>
    %get3A_10 = arith.constant 0 : index
    %get3A_11 = arith.constant 0 : index
    %get3A_12 = vector.load %arg4[%get3A_10, %get3A_11] : memref<32x4096xf32, #tpu.memory_space<vmem>>, vector<32x4096xf32>
    %transpose3A_13 = tpu.transpose %get3A_12, [1, 0] : vector<32x4096xf32> -> vector<4096x32xf32>
    %concatenate3A = tpu.concatenate %transpose3A, %transpose3A_5, %transpose3A_9, %transpose3A_13 in 1 : vector<4096x32xf32>, vector<4096x32xf32>, vector<4096x32xf32>, vector<4096x32xf32> -> vector<4096x128xf32>
    %swap3A = arith.constant 0 : index
    %swap3A_14 = arith.constant 0 : index
    %swap3A_15 = vector.load %arg5[%swap3A, %swap3A_14] : memref<4096x128xf32, #tpu.memory_space<vmem>>, vector<4096x128xf32>
    tpu.vector_store %arg5[%swap3A, %swap3A_14], %concatenate3A {strides = array<i32>} : memref<4096x128xf32, #tpu.memory_space<vmem>>, vector<4096x128xf32>,
    return
  }
  func.func @transform_0(%arg0: i32) -> (i32, i32) {
    %c0_i32 = arith.constant 0 : i32
    %c0_i32_0 = arith.constant 0 : i32
    return %c0_i32, %arg0 : i32, i32
  }
  func.func @transform_1(%arg0: i32) -> (i32, i32) {
    %c0_i32 = arith.constant 0 : i32
    %c0_i32_0 = arith.constant 0 : i32
    return %c0_i32, %arg0 : i32, i32
  }
  func.func @transform_2(%arg0: i32) -> (i32, i32) {
    %c0_i32 = arith.constant 0 : i32
    %c0_i32_0 = arith.constant 0 : i32
    return %c0_i32, %arg0 : i32, i32
  }
  func.func @transform_3(%arg0: i32) -> (i32, i32) {
    %c0_i32 = arith.constant 0 : i32
    %c0_i32_0 = arith.constant 0 : i32
    return %c0_i32, %arg0 : i32, i32
  }
  func.func @transform_4(%arg0: i32) -> (i32, i32) {
    %c0_i32 = arith.constant 0 : i32
    %c0_i32_0 = arith.constant 0 : i32
    return %arg0, %c0_i32 : i32, i32
  }
}

module attributes {stable_mosaic.version = 14 : i64} {
  func.func @body(%arg0: i32, %arg1: memref<2048x128xf32, #tpu.memory_space<vmem>>, %arg2: memref<2048x128xf32, #tpu.memory_space<vmem>>, %arg3: memref<32x128xf32, #tpu.memory_space<vmem>>, %arg4: memref<32x128xf32, #tpu.memory_space<vmem>>, %arg5: memref<1x128xf32, #tpu.memory_space<vmem>>, %arg6: memref<128x64xf32, #tpu.memory_space<vmem>>, %arg7: memref<1x64xf32, #tpu.memory_space<vmem>>, %arg8: memref<64x32xf32, #tpu.memory_space<vmem>>, %arg9: memref<1x32xf32, #tpu.memory_space<vmem>>, %arg10: memref<1x32xf32, #tpu.memory_space<vmem>>, %arg11: memref<1x32xf32, #tpu.memory_space<vmem>>, %arg12: memref<1x1xf32, #tpu.memory_space<vmem>>, %arg13: memref<2048x1xf32, #tpu.memory_space<vmem>>) attributes {dimension_semantics = [#tpu.dimension_semantics<arbitrary>], iteration_bounds = array<i64: 8>, scalar_prefetch = 0 : i64, scratch_operands = 0 : i64, tpu.core_type = #tpu.core_type<tc>, window_params = [{transform_indices = @transform_0, window_bounds = array<i64: 2048, 128>}, {transform_indices = @transform_1, window_bounds = array<i64: 2048, 128>}, {pipeline_mode = #tpu.pipeline_mode<synchronous>, transform_indices = @transform_2, window_bounds = array<i64: 32, 128>}, {pipeline_mode = #tpu.pipeline_mode<synchronous>, transform_indices = @transform_3, window_bounds = array<i64: 32, 128>}, {pipeline_mode = #tpu.pipeline_mode<synchronous>, transform_indices = @transform_4, window_bounds = array<i64: 1, 128>}, {pipeline_mode = #tpu.pipeline_mode<synchronous>, transform_indices = @transform_5, window_bounds = array<i64: 128, 64>}, {pipeline_mode = #tpu.pipeline_mode<synchronous>, transform_indices = @transform_6, window_bounds = array<i64: 1, 64>}, {pipeline_mode = #tpu.pipeline_mode<synchronous>, transform_indices = @transform_7, window_bounds = array<i64: 64, 32>}, {pipeline_mode = #tpu.pipeline_mode<synchronous>, transform_indices = @transform_8, window_bounds = array<i64: 1, 32>}, {pipeline_mode = #tpu.pipeline_mode<synchronous>, transform_indices = @transform_9, window_bounds = array<i64: 1, 32>}, {pipeline_mode = #tpu.pipeline_mode<synchronous>, transform_indices = @transform_10, window_bounds = array<i64: 1, 32>}, {pipeline_mode = #tpu.pipeline_mode<synchronous>, transform_indices = @transform_11, window_bounds = array<i64: 1, 1>}, {transform_indices = @transform_12, window_bounds = array<i64: 2048, 1>}]} {
    %get3A = arith.constant 0 : index
    %get3A_0 = arith.constant 0 : index
    %get3A_1 = vector.load %arg1[%get3A, %get3A_0] : memref<2048x128xf32, #tpu.memory_space<vmem>>, vector<2048x128xf32>
    %get3A_2 = arith.constant 0 : index
    %get3A_3 = arith.constant 0 : index
    %get3A_4 = vector.load %arg2[%get3A_2, %get3A_3] : memref<2048x128xf32, #tpu.memory_space<vmem>>, vector<2048x128xf32>
    %slice3A = vector.extract_strided_slice %get3A_1 {offsets = [0, 0], sizes = [2048, 32], strides = [1, 1]} : vector<2048x128xf32> to vector<2048x32xf32>
    %slice3A_5 = vector.extract_strided_slice %get3A_4 {offsets = [0, 32], sizes = [2048, 32], strides = [1, 1]} : vector<2048x128xf32> to vector<2048x32xf32>
    %slice3A_6 = vector.extract_strided_slice %get3A_1 {offsets = [0, 64], sizes = [2048, 32], strides = [1, 1]} : vector<2048x128xf32> to vector<2048x32xf32>
    %slice3A_7 = vector.extract_strided_slice %get3A_4 {offsets = [0, 96], sizes = [2048, 32], strides = [1, 1]} : vector<2048x128xf32> to vector<2048x32xf32>
    %get3A_8 = arith.constant 0 : index
    %get3A_9 = arith.constant 0 : index
    %get3A_10 = vector.load %arg3[%get3A_8, %get3A_9] : memref<32x128xf32, #tpu.memory_space<vmem>>, vector<32x128xf32>
    %dot_general3A = arith.constant dense<0.000000e+00> : vector<2048x128xf32>
    %dot_general3A_11 = tpu.matmul %slice3A_6, %get3A_10, %dot_general3A {dimension_numbers = #tpu.dot_dimension_numbers<[1], [0], [0], [1], [0, 0, 1, 1], [], []>, transpose_lhs_hint = false} : vector<2048x32xf32>, vector<32x128xf32>, vector<2048x128xf32> -> vector<2048x128xf32>
    %get3A_12 = arith.constant 0 : index
    %get3A_13 = arith.constant 0 : index
    %get3A_14 = vector.load %arg4[%get3A_12, %get3A_13] : memref<32x128xf32, #tpu.memory_space<vmem>>, vector<32x128xf32>
    %dot_general3A_15 = arith.constant dense<0.000000e+00> : vector<2048x128xf32>
    %dot_general3A_16 = tpu.matmul %slice3A_7, %get3A_14, %dot_general3A_15 {dimension_numbers = #tpu.dot_dimension_numbers<[1], [0], [0], [1], [0, 0, 1, 1], [], []>, transpose_lhs_hint = false} : vector<2048x32xf32>, vector<32x128xf32>, vector<2048x128xf32> -> vector<2048x128xf32>
    %add3A = arith.addf %dot_general3A_11, %dot_general3A_16 : vector<2048x128xf32>
    %get3A_17 = arith.constant 0 : index
    %get3A_18 = arith.constant 0 : index
    %get3A_19 = vector.load %arg5[%get3A_17, %get3A_18] : memref<1x128xf32, #tpu.memory_space<vmem>>, vector<1x128xf32>
    %add3A_20 = vector.broadcast %get3A_19 : vector<1x128xf32> to vector<2048x128xf32>
    %add3A_21 = arith.addf %add3A, %add3A_20 : vector<2048x128xf32>
    %max3A = arith.constant 0.000000e+00 : f32
    %max3A_22 = vector.broadcast %max3A : f32 to vector<2048x128xf32>
    %max3A_23 = arith.maximumf %add3A_21, %max3A_22 : vector<2048x128xf32>
    %get3A_24 = arith.constant 0 : index
    %get3A_25 = arith.constant 0 : index
    %get3A_26 = vector.load %arg6[%get3A_24, %get3A_25] : memref<128x64xf32, #tpu.memory_space<vmem>>, vector<128x64xf32>
    %dot_general3A_27 = arith.constant dense<0.000000e+00> : vector<2048x64xf32>
    %dot_general3A_28 = tpu.matmul %max3A_23, %get3A_26, %dot_general3A_27 {dimension_numbers = #tpu.dot_dimension_numbers<[1], [0], [0], [1], [0, 0, 1, 1], [], []>, transpose_lhs_hint = false} : vector<2048x128xf32>, vector<128x64xf32>, vector<2048x64xf32> -> vector<2048x64xf32>
    %get3A_29 = arith.constant 0 : index
    %get3A_30 = arith.constant 0 : index
    %get3A_31 = vector.load %arg7[%get3A_29, %get3A_30] : memref<1x64xf32, #tpu.memory_space<vmem>>, vector<1x64xf32>
    %add3A_32 = vector.broadcast %get3A_31 : vector<1x64xf32> to vector<2048x64xf32>
    %add3A_33 = arith.addf %dot_general3A_28, %add3A_32 : vector<2048x64xf32>
    %max3A_34 = arith.constant 0.000000e+00 : f32
    %max3A_35 = vector.broadcast %max3A_34 : f32 to vector<2048x64xf32>
    %max3A_36 = arith.maximumf %add3A_33, %max3A_35 : vector<2048x64xf32>
    %get3A_37 = arith.constant 0 : index
    %get3A_38 = arith.constant 0 : index
    %get3A_39 = vector.load %arg8[%get3A_37, %get3A_38] : memref<64x32xf32, #tpu.memory_space<vmem>>, vector<64x32xf32>
    %dot_general3A_40 = arith.constant dense<0.000000e+00> : vector<2048x32xf32>
    %dot_general3A_41 = tpu.matmul %max3A_36, %get3A_39, %dot_general3A_40 {dimension_numbers = #tpu.dot_dimension_numbers<[1], [0], [0], [1], [0, 0, 1, 1], [], []>, transpose_lhs_hint = false} : vector<2048x64xf32>, vector<64x32xf32>, vector<2048x32xf32> -> vector<2048x32xf32>
    %get3A_42 = arith.constant 0 : index
    %get3A_43 = arith.constant 0 : index
    %get3A_44 = vector.load %arg9[%get3A_42, %get3A_43] : memref<1x32xf32, #tpu.memory_space<vmem>>, vector<1x32xf32>
    %add3A_45 = vector.broadcast %get3A_44 : vector<1x32xf32> to vector<2048x32xf32>
    %add3A_46 = arith.addf %dot_general3A_41, %add3A_45 : vector<2048x32xf32>
    %max3A_47 = arith.constant 0.000000e+00 : f32
    %max3A_48 = vector.broadcast %max3A_47 : f32 to vector<2048x32xf32>
    %max3A_49 = arith.maximumf %add3A_46, %max3A_48 : vector<2048x32xf32>
    %mul3A = arith.mulf %slice3A, %slice3A_5 : vector<2048x32xf32>
    %get3A_50 = arith.constant 0 : index
    %get3A_51 = arith.constant 0 : index
    %get3A_52 = vector.load %arg10[%get3A_50, %get3A_51] : memref<1x32xf32, #tpu.memory_space<vmem>>, vector<1x32xf32>
    %mul3A_53 = vector.broadcast %get3A_52 : vector<1x32xf32> to vector<2048x32xf32>
    %mul3A_54 = arith.mulf %mul3A, %mul3A_53 : vector<2048x32xf32>
    %get3A_55 = arith.constant 0 : index
    %get3A_56 = arith.constant 0 : index
    %get3A_57 = vector.load %arg11[%get3A_55, %get3A_56] : memref<1x32xf32, #tpu.memory_space<vmem>>, vector<1x32xf32>
    %mul3A_58 = vector.broadcast %get3A_57 : vector<1x32xf32> to vector<2048x32xf32>
    %mul3A_59 = arith.mulf %max3A_49, %mul3A_58 : vector<2048x32xf32>
    %add3A_60 = arith.addf %mul3A_54, %mul3A_59 : vector<2048x32xf32>
    %reduce_sum3A = arith.constant dense<0.000000e+00> : vector<2048xf32>
    %reduce_sum3A_61 = vector.multi_reduction <add>, %add3A_60, %reduce_sum3A [1] : vector<2048x32xf32> to vector<2048xf32>
    %broadcast_in_dim3A = vector.shape_cast %reduce_sum3A_61 : vector<2048xf32> to vector<2048x1xf32>
    %get3A_62 = arith.constant 0 : index
    %get3A_63 = arith.constant 0 : index
    %get3A_64 = vector.load %arg12[%get3A_62, %get3A_63] : memref<1x1xf32, #tpu.memory_space<vmem>>, vector<1x1xf32>
    %add3A_65 = vector.broadcast %get3A_64 : vector<1x1xf32> to vector<2048x1xf32>
    %add3A_66 = arith.addf %broadcast_in_dim3A, %add3A_65 : vector<2048x1xf32>
    %swap3A = arith.constant 0 : index
    %swap3A_67 = arith.constant 0 : index
    %swap3A_68 = vector.load %arg13[%swap3A, %swap3A_67] : memref<2048x1xf32, #tpu.memory_space<vmem>>, vector<2048x1xf32>
    tpu.vector_store %arg13[%swap3A, %swap3A_67], %add3A_66 {strides = array<i32>} : memref<2048x1xf32, #tpu.memory_space<vmem>>, vector<2048x1xf32>,
    return
  }
  func.func @transform_0(%arg0: i32) -> (i32, i32) {
    %c0_i32 = arith.constant 0 : i32
    %c0_i32_0 = arith.constant 0 : i32
    return %arg0, %c0_i32 : i32, i32
  }
  func.func @transform_1(%arg0: i32) -> (i32, i32) {
    %c0_i32 = arith.constant 0 : i32
    %c0_i32_0 = arith.constant 0 : i32
    return %arg0, %c0_i32 : i32, i32
  }
  func.func @transform_2(%arg0: i32) -> (i32, i32) {
    %c0_i32 = arith.constant 0 : i32
    %c0_i32_0 = arith.constant 0 : i32
    %c0_i32_1 = arith.constant 0 : i32
    return %c0_i32, %c0_i32_0 : i32, i32
  }
  func.func @transform_3(%arg0: i32) -> (i32, i32) {
    %c0_i32 = arith.constant 0 : i32
    %c0_i32_0 = arith.constant 0 : i32
    %c0_i32_1 = arith.constant 0 : i32
    return %c0_i32, %c0_i32_0 : i32, i32
  }
  func.func @transform_4(%arg0: i32) -> (i32, i32) {
    %c0_i32 = arith.constant 0 : i32
    %c0_i32_0 = arith.constant 0 : i32
    %c0_i32_1 = arith.constant 0 : i32
    return %c0_i32, %c0_i32_0 : i32, i32
  }
  func.func @transform_5(%arg0: i32) -> (i32, i32) {
    %c0_i32 = arith.constant 0 : i32
    %c0_i32_0 = arith.constant 0 : i32
    %c0_i32_1 = arith.constant 0 : i32
    return %c0_i32, %c0_i32_0 : i32, i32
  }
  func.func @transform_6(%arg0: i32) -> (i32, i32) {
    %c0_i32 = arith.constant 0 : i32
    %c0_i32_0 = arith.constant 0 : i32
    %c0_i32_1 = arith.constant 0 : i32
    return %c0_i32, %c0_i32_0 : i32, i32
  }
  func.func @transform_7(%arg0: i32) -> (i32, i32) {
    %c0_i32 = arith.constant 0 : i32
    %c0_i32_0 = arith.constant 0 : i32
    %c0_i32_1 = arith.constant 0 : i32
    return %c0_i32, %c0_i32_0 : i32, i32
  }
  func.func @transform_8(%arg0: i32) -> (i32, i32) {
    %c0_i32 = arith.constant 0 : i32
    %c0_i32_0 = arith.constant 0 : i32
    %c0_i32_1 = arith.constant 0 : i32
    return %c0_i32, %c0_i32_0 : i32, i32
  }
  func.func @transform_9(%arg0: i32) -> (i32, i32) {
    %c0_i32 = arith.constant 0 : i32
    %c0_i32_0 = arith.constant 0 : i32
    %c0_i32_1 = arith.constant 0 : i32
    return %c0_i32, %c0_i32_0 : i32, i32
  }
  func.func @transform_10(%arg0: i32) -> (i32, i32) {
    %c0_i32 = arith.constant 0 : i32
    %c0_i32_0 = arith.constant 0 : i32
    %c0_i32_1 = arith.constant 0 : i32
    return %c0_i32, %c0_i32_0 : i32, i32
  }
  func.func @transform_11(%arg0: i32) -> (i32, i32) {
    %c0_i32 = arith.constant 0 : i32
    %c0_i32_0 = arith.constant 0 : i32
    %c0_i32_1 = arith.constant 0 : i32
    return %c0_i32, %c0_i32_0 : i32, i32
  }
  func.func @transform_12(%arg0: i32) -> (i32, i32) {
    %c0_i32 = arith.constant 0 : i32
    %c0_i32_0 = arith.constant 0 : i32
    return %arg0, %c0_i32 : i32, i32
  }
}

</mosaic_0001>

<sc_bundles>
// kernel: kernel.5.cloned.1.call-start
scs
__scs_entry_jumppad:
0x0: {  	(pc) =	sbr.rel $0x88, $3  }
0x1: {  	(tag) =	ssettag $0x0;
	lr =	simm.s32 $0x1  }
0x2: {  	[smem:$0x3F93] =	sst lr;
	_ =	strace $0xD0000000  }
0x3: {  	_ = 	snop  }
0x4: {  	_ = 	snop  }
0x5: {  	_ = 	snop  }
0x6: {  	_ = 	snop  }
0x7: {  	_ = 	snop  }
__scs_overlays_trampoline_lowered:
0x8: {  	[smem:$0x3FA2] =	sst s0  }
0x9: {  	[smem:$0x3FA3] =	sst s1  }
0xa: {  	[smem:$0x3FA4] =	sst s2  }
0xb: {  	[smem:$0x3FA5] =	sst s3  }
0xc: {  	[smem:$0x3FA6] =	sst s4  }
0xd: {  	[smem:$0x3FA7] =	sst s5  }
0xe: {  	[smem:$0x3FA8] =	sst s6  }
0xf: {  	[smem:$0x3FA9] =	sst s7  }
0x10: {  	[smem:$0x3FAA] =	sst s8  }
0x11: {  	[smem:$0x3FAB] =	sst s9;
	s0 =	simm.s32 @!p0 $0x0  }
0x12: {  	s1 =	sld [smem:$0x3F91];
	s0 =	simm.s32 @p0 $0x1  }
0x13: {  	[smem:$0x3FAC] =	sst s0;
	s0 =	simm.s32 @!p1 $0x0  }
0x14: {  	s2 =	sld [smem:$0x3F90];
	s0 =	simm.s32 @p1 $0x1  }
0x15: {  	[smem:$0x3FAD] =	sst s0;
	s0 =	simm.s32 @!p2 $0x0  }
0x16: {  	s3 =	sld [smem:$0x3FDB];
	s0 =	simm.s32 @p2 $0x1  }
0x17: {  	s4 =	simm.s32 $0x1BF5;
	[smem:$0x3FAF] =	sst s0  }
0x18: {  	s0 =	sld [smem:$0x3F92];
	_ =	swait.ge [sflag:s4], $0x0  }
0x19: {  	s7 =	sld [smem:$0x3F93]  }
0x1a: {  	s8 =	sadd.s32 $0xFFFFE003, lr  }
0x1b: {  	s9 =	sadd.s32 $0xFFFFFEF7, lr;
	s5 =	simm.s32 $0xFFFFFFFF;
	p2 =	slt.u32 s8, $0xFFFFF086  }
0x1c: {  	p1 =	slt.u32 s9, $0xF7A;
	s5 =	simm.s32 @!p2 $0x0  }
0x1d: {  	s5 =	simm.s32 @p1 $0x1;
	p0 =	seq.s32 s7, s2  }
0x1e: {  	s7 =	smul.u32 @!p0 $0xF7A, s2;
	p2 =	seq.s32 @!p0 s5, $0x0  }
0x1f: {  	s9 =	smul.u32 $0xF7A, s1;
	s8 =	simm.s32 @!p0 $0x1BF5;
	p2 =	por !p2, p0  }
0x20: {  	[sflag:s8] =	ssyncset.s32 @!p0 $0xFFFFF086;
	s6 =	sadd.s32 @!p0 s3, s7;
	s7 =	simm.s32 @!p0 $0x108  }
0x21: {  	s3 =	sadd.s32 s3, s9;
	s6 =	sadd.s32 @!p0 $0x88, s6;
	s7 =	simm.s32 @p2 $0x1082  }
0x22: {  	[simem:s7], [sflag:s8] =	dma.local @!p0 [hbm:s6], $0xF7A  }
0x23: {  	s9 =	sor.u32 $0xD0000000, s2;
	s6 =	simm.s32 $0x108;
	_ =	swait.ge @!p0 [sflag:s8], $0x0  }
0x24: {  	s3 =	sadd.s32 $0x88, s3;
	s6 =	simm.s32 @!p1 $0x1082;
	[sflag:s4] =	ssyncset.s32 $0xFFFFF086  }
0x25: {  	[simem:s6], [sflag:s4] =	dma.local [hbm:s3], $0xF7A  }
0x26: {  	[smem:$0x3F93] =	sst s1;
	(tag) =	ssettag s2;
	_ =	strace s9  }
0x27: {  	s1 =	sld [smem:$0x3FA3]  }
0x28: {  	s2 =	sld [smem:$0x3FA4]  }
0x29: {  	s4 =	sld [smem:$0x3FA6]  }
0x2a: {  	p0 =	seq.s32 s5, $0x0;
	s5 =	sld [smem:$0x3FA7]  }
0x2b: {  	s6 =	sld [smem:$0x3FA8]  }
0x2c: {  	s7 =	sld [smem:$0x3FA9]  }
0x2d: {  	s3 =	simm.s32 $0x108;
	s8 =	sld [smem:$0x3FAA]  }
0x2e: {  	s3 =	simm.s32 @!p0 $0x1082;
	s9 =	sld [smem:$0x3FAB]  }
0x2f: {  	lr =	sadd.s32 s0, s3;
	s0 =	sld [smem:$0x3FA2]  }
0x30: {  	s3 =	sld [smem:$0x3FA5]  }
0x31: {  	[smem:$0x3FAE] =	sst s10  }
0x32: {  	s10 =	sld [smem:$0x3FAC];
	_ =	sdelay $0x3  }
0x33: {  	p0 =	seq.s32 s10, $0x1;
	s10 =	sld [smem:$0x3FAE];
	_ =	sdelay $0x3  }
0x34: {  	[smem:$0x3FAE] =	sst s10  }
0x35: {  	s10 =	sld [smem:$0x3FAD];
	_ =	sdelay $0x3  }
0x36: {  	p1 =	seq.s32 s10, $0x1;
	s10 =	sld [smem:$0x3FAE];
	_ =	sdelay $0x3  }
0x37: {  	[smem:$0x3FAE] =	sst s10  }
0x38: {  	s10 =	sld [smem:$0x3FAF]  }
0x39: {  	_ = 	snop;
	(pc) =	sbr.ind lr, $3  }
0x3a: {  	_ = 	snop  }
0x3b: {  	_ = 	snop  }
0x3c: {  	p2 =	seq.s32 s10, $0x1;
	s10 =	sld [smem:$0x3FAE]  }
0x3d: {  	_ =	shalt  }
0x3e: {  	_ =	shalt  }
0x3f: {  	_ =	shalt  }
0x40: {  	_ =	shalt  }
0x41: {  	_ =	shalt  }
0x42: {  	_ =	shalt  }
0x43: {  	_ =	shalt  }
0x44: {  	_ =	shalt  }
0x45: {  	_ =	shalt  }
0x46: {  	_ =	shalt  }
0x47: {  	_ =	shalt  }
0x48: {  	_ =	shalt  }
0x49: {  	_ =	shalt  }
0x4a: {  	_ =	shalt  }
0x4b: {  	_ =	shalt  }
0x4c: {  	_ =	shalt  }
0x4d: {  	_ =	shalt  }
0x4e: {  	_ =	shalt  }
0x4f: {  	_ =	shalt  }
0x50: {  	_ =	shalt  }
0x51: {  	_ =	shalt  }
0x52: {  	_ =	shalt  }
0x53: {  	_ =	shalt  }
0x54: {  	_ =	shalt  }
0x55: {  	_ =	shalt  }
0x56: {  	_ =	shalt  }
0x57: {  	_ =	shalt  }
0x58: {  	_ =	shalt  }
0x59: {  	_ =	shalt  }
0x5a: {  	_ =	shalt  }
0x5b: {  	_ =	shalt  }
0x5c: {  	_ =	shalt  }
0x5d: {  	_ =	shalt  }
0x5e: {  	_ =	shalt  }
0x5f: {  	_ =	shalt  }
0x60: {  	_ =	shalt  }
0x61: {  	_ =	shalt  }
0x62: {  	_ =	shalt  }
0x63: {  	_ =	shalt  }
0x64: {  	_ =	shalt  }
0x65: {  	_ =	shalt  }
0x66: {  	_ =	shalt  }
0x67: {  	_ =	shalt  }
0x68: {  	_ =	shalt  }
0x69: {  	_ =	shalt  }
0x6a: {  	_ =	shalt  }
0x6b: {  	_ =	shalt  }
0x6c: {  	_ =	shalt  }
0x6d: {  	_ =	shalt  }
0x6e: {  	_ =	shalt  }
0x6f: {  	_ =	shalt  }
0x70: {  	_ =	shalt  }
0x71: {  	_ =	shalt  }
0x72: {  	_ =	shalt  }
0x73: {  	_ =	shalt  }
0x74: {  	_ =	shalt  }
0x75: {  	_ =	shalt  }
0x76: {  	_ =	shalt  }
0x77: {  	_ =	shalt  }
0x78: {  	_ =	shalt  }
0x79: {  	_ =	shalt  }
0x7a: {  	_ =	shalt  }
0x7b: {  	_ =	shalt  }
0x7c: {  	_ =	shalt  }
0x7d: {  	_ =	shalt  }
0x7e: {  	_ =	shalt  }
0x7f: {  	_ =	shalt  }
0x80: {  	_ =	shalt  }
0x81: {  	_ =	shalt  }
0x82: {  	_ =	shalt  }
0x83: {  	_ =	shalt  }
0x84: {  	_ =	shalt  }
0x85: {  	_ =	shalt  }
0x86: {  	_ =	shalt  }
0x87: {  	_ =	shalt  }
.Lfunc_end0:
.L_simem_size_0:
called_computation_lowered:
.L_overlay_start_0:
0x88: {  	s2 =	sld [smem:$0x3FD9]  }
0x89: {  	s3 =	sld [smem:$0x3FFE];
	_ =	sdelay $0x1  }
0x8a: {  	s1 =	srdreg.scid  }
0x8b: {  	s0 =	sand.u32 $0x1, s1  }
0x8c: {  	s17 =	sshll.u32 s0, $0xA;
	s2 =	sadd.s32 s3, s2  }
0x8d: {  	s2 =	sadd.s32 s2, s17  }
0x8e: {  	[smem:$0x3FBA] =	sst s2  }
0x8f: {  	_ = 	snop  }
0x90: {  	s2 =	sld [smem:$0x3FC9]  }
0x91: {  	s18 =	sld [smem:$0x3FC8];
	(tm) =	ssettm $0x1  }
0x92: {  	s4 =	sld [smem:$0x3FFB];
	_ =	sdelay $0x3  }
0x93: {  	_ =	strace s4  }
0x94: {  	s4 =	sld [smem:$0x3FFC];
	_ =	sdelay $0x3  }
0x95: {  	_ =	strace s4  }
0x96: {  	s4 =	sld [smem:$0x3FFD];
	_ =	sdelay $0x3  }
0x97: {  	_ =	strace s4  }
0x98: {  	_ =	strace $0x8FFFFFFF  }
0x99: {  	s19 =	sld [smem:$0x3FDB];
	_ =	sdelay $0x1  }
0x9a: {  	s5 =	simm.s32 $_scs_section_size  }
0x9b: {  	s6 =	simm.s32 $_size__tile_overlayer_lowered;
	s7 =	simm.s32 $_tile_overlayer_lowered  }
0x9c: {  	s22 =	simm.s32 $0x1BFF;
	s21 =	sshll.u32 s7, $0x1;
	s4 =	sadd.s32 s5, s19  }
0x9d: {  	s8 =	simm.s32 $0x0;
	s20 =	sshll.u32 s6, $0x1;
	s6 =	sadd.s32 s21, s4  }
0x9e: {  	[timem:s8], [sflag:s22] =	dma.local [hbm:s6], s20  }
0x9f: {  	_ =	swait.ge [sflag:s22], s20  }
0xa0: {  	s5 =	ssub.s32 $0x0, s20;
	[sflag:s22] =	ssyncset.done $0x0  }
0xa1: {  	[sflag:s22] =	ssyncadd.s32 s5;
	_ =	sdelay $0x1  }
0xa2: {  	s23 =	simm.s32 $0x1B8B  }
0xa3: {  	_ =	swait.ge [sflag:s23], $0x1  }
0xa4: {  	[sflag:s23] =	ssyncset.done $0x0  }
0xa5: {  	s25 =	simm.s32 $0x1B8E;
	s24 =	sld [smem:$0x3FFE];
	[sflag:s23] =	ssyncadd.s32 $0xFFFFFFFF  }
0xa6: {  	s26 =	simm.s32 $execute0_lowered;
	[smem:$0x3FD2] =	sst s25  }
0xa7: {  	s6 =	sshll.u32 s26, $0x1;
	_ =	strace $0x80000046;
	[dreg:$0x1] =	wrdreg $0xFFFFFFFF  }
0xa8: {  	s28 =	simm.s32 $_size_execute0_lowered;
	s4 =	sadd.s32 s4, s6;
	[dreg:$0x0] =	wrdreg $0x0  }
0xa9: {  	s6 =	sshll.u32 s28, $0x1;
	[dreg:$0x2] =	wrdreg s4  }
0xaa: {  	[dreg:$0x3] =	wrdreg s6  }
0xab: {  	[dreg:$0x4] =	wrdreg $0xC0  }
0xac: {  	_ =	task [dreg:s8], $0x5FFFF  }
0xad: {  	[dreg:$0x1] =	wrdreg $0xFFFFFFFF  }
0xae: {  	[dreg:$0x0] =	wrdreg $0x60  }
0xaf: {  	[dreg:$0x2] =	wrdreg s2  }
0xb0: {  	[dreg:$0x3] =	wrdreg s18  }
0xb1: {  	[dreg:$0x4] =	wrdreg s24  }
0xb2: {  	[dreg:$0x5] =	wrdreg $0x9  }
0xb3: {  	_ =	task.clear_ibuf [dreg:s8], $0x6FFFF;
	_ =	strace $0x90000046  }
0xb4: {  	s29 =	simm.s32 $0x9;
	_ =	strace $0x80000048  }
0xb5: {  	_ =	swait.ge [sflag:s29], $0x1  }
0xb6: {  	[sflag:s29] =	ssyncadd.s32 $0xFFFFFFFF  }
0xb7: {  	_ =	strace $0x90000048  }
0xb8: {  	_ =	sfence  }
0xb9: {  	s30 =	sld [smem:$0x0];
	_ =	sdelay $0x2  }
0xba: {  	s31 =	sshll.u32 s1, $0xD;
	s1 =	sshrl.u32 s1, $0x2  }
0xbb: {  	s3 =	sand.u32 $0x4000, s31;
	s1 =	sadd.s32 s1, s30  }
0xbc: {  	s0 =	sor.u32 s3, s0;
	s1 =	sshll.u32 s1, $0x11  }
0xbd: {  	s0 =	sor.u32 s1, s0  }
0xbe: {  	s0 =	sadd.s32 $0x8F2B, s0  }
0xbf: {  	[sflag:s0] =	ssyncadd.remote.s32 $0x1  }
0xc0: {  	_ =	sfence.sel $0xFFFF  }
0xc1: {  	[dreg:$0x0] =	wrdreg $0xFFFFFFFF;
	(pc) =	sbr.abs _section_cstart, $3  }
0xc2: {  	[dreg:$0x1] =	wrdreg $0xFFFFFFFF  }
0xc3: {  	_ =	task.clear_ibuf [dreg:s8], $0x2FFFF;
	_ =	strace $0x9FFFFFFF  }
0xc4: {  	(tm) =	ssettm $0x7FFFFFFF  }
0xc5: {  	_ =	shalt  }
tec
execute0_lowered:
.L_overlay_start_1:
0x0: {  	(tag) =	ssettag $0x1  }
0x1: {  	s4 =	rddreg [dreg:$0x0]  }
0x2: {  	s5 =	rddreg [dreg:$0x1]  }
0x3: {  	s6 =	rddreg [dreg:$0x2];
	s2 =	simm.s32 $0x0  }
0x4: {  	s3 =	srdreg.scid;
	s0 =	stileid.u32;
	s11 =	simm.s32 $0x1  }
0x5: {  	s12 =	simm.s32 $0x400;
	s13 =	simm.s32 $0x0;
	s7 =	sand.u32 $0x1, s3  }
0x6: {  	[smem:$0x7FF] =	sst s2;
	s8 =	sshll.u32 s0, $0xA;
	s9 =	sshll.u32 s7, $0x9  }
0x7: {  	s3 =	sadd.s32 $0x1800, s6;
	s7 =	ssub.s32 $0x2, s7;
	s8 =	sor.u32 s9, s8  }
0x8: {  	_ =	strace $0x80000047;
	s10 =	sshrl.u32 s7, $0x1;
	s9 =	sshll.u32 s8, $0x4  }
0x9: {  	s8 =	sshrl.u32 s8, $0x3;
	s10 =	ssub.s32 s7, s10;
	s9 =	sadd.s32 s9, s6  }
0xa: {  	s4 =	sadd.s32 s4, s8;
	s5 =	sadd.s32 s5, s8;
	s8 =	smax.u32 s10, $0x1  }
0xb: {  	s6 =	sadd.s32 $0xF43C00, s9;
	s7 =	sadd.s32 $0xF83C00, s9;
	s9 =	simm.s32 $0x2  }
.LBB2_1:
0xc: {  	[tilespmem:s2], [sflag:$0x2] =	stream.linear.gather [hbm4b:s4+s2], $0x200, $0x38;
	[tilespmem:$0x10400] =	vst v63  }
0xd: {  	_ =	swait.ge [sflag:s9], $0x200  }
0xe: {  	[sflag:s9] =	ssyncset.done $0x0  }
0xf: {  	s0 =	simm.s32 $0x200;
	[sflag:s9] =	ssyncadd.s32 $0xFFFFFE00  }
0x10: {  	[tilespmem:s0], [sflag:$0x2] =	stream.linear.gather [hbm4b:s5+s2], $0x200, $0x38;
	[tilespmem:$0x10400] =	vst v63  }
0x11: {  	_ =	swait.ge [sflag:s9], $0x200  }
0x12: {  	[sflag:s9] =	ssyncset.done $0x0  }
0x13: {  	[sflag:s9] =	ssyncadd.s32 $0xFFFFFE00  }
0x14: {  	v0 =	vld [tilespmem:s2+$0x0];
	_ =	sdelay $0x4  }
0x15: {  	v0 =	vshll.u32 v0, $0x4  }
0x16: {  	(v2sf) =	vpush v0, $0x0  }
0x17: {  	(v2sf) =	vpush v0, $0x1  }
0x18: {  	(v2sf) =	vpush v0, $0x2;
	_ =	sdelay $0x1  }
0x19: {  	(v2sf) =	vpush v0, $0x4;
	_ =	sdelay $0x1  }
0x1a: {  	(v2sf) =	vpush v0, $0x3  }
0x1b: {  	(v2sf) =	vpush v0, $0x5  }
0x1c: {  	s15 =	simm.s32 $0x2000;
	s14 =	simm.s32 $0x0;
	s16 =	simm.s32 $0x0;
	(v2sf) =	vpush v0, $0x6  }
.LBB2_2:
0x1d: {  	p0 =	sne.s32 s15, $0x3E000  }
0x1e: {  	s26 =	sadd.s32 $0x480, s14;
	s20 =	sadd.s32 $0x980, s14;
	s17 =	smov.u32 s15  }
0x1f: {  	s15 =	sadd.s32 $0x2000, s15;
	s23 =	sadd.s32 $0x780, s14;
	s18 =	sadd.s32 $0xA00, s14;
	(v2sf) =	vpush v0, $0x7  }
0x20: {  	s25 =	sadd.s32 $0x680, s14;
	s22 =	sadd.s32 $0x800, s14;
	s19 =	sadd.s32 $0xA80, s14  }
0x21: {  	s28 =	sadd.s32 $0x400, s14;
	s29 =	sadd.s32 $0x600, s14;
	(v2sf) =	vpush v0, $0x8  }
0x22: {  	s30 =	sadd.s32 $0x700, s14;
	s16 =	sadd.s32 $0x10, s16  }
0x23: {  	s31 =	sadd.s32 $0x500, s14;
	s21 =	sadd.s32 $0x900, s14;
	s24 =	spop (v2sf);
	(v2sf) =	vpush v0, $0x9  }
0x24: {  	s0 =	sand.u32 $0x1FFFFFF0, s24;
	s24 =	sadd.s32 $0x880, s14;
	s1 =	spop (v2sf)  }
0x25: {  	s0 =	sadd.s32 s3, s0;
	s1 =	sand.u32 $0x1FFFFFF0, s1;
	s10 =	spop (v2sf);
	(v2sf) =	vpush v0, $0xA  }
0x26: {  	[tilespmem:s28], [sflag:$0x1] =	stream.linear.gather [hbm4b:s0+s2], $0x80, $0x38;
	[tilespmem:$0x10400] =	vst v63  }
0x27: {  	s0 =	sadd.s32 s3, s1;
	s1 =	sadd.s32 $0x580, s14;
	s28 =	spop (v2sf);
	(v2sf) =	vpush v0, $0xB  }
0x28: {  	[tilespmem:s26], [sflag:$0x1] =	stream.linear.gather [hbm4b:s0+s2], $0x80, $0x38;
	[tilespmem:$0x10400] =	vst v63  }
0x29: {  	s0 =	sand.u32 $0x1FFFFFF0, s10;
	s10 =	sand.u32 $0x1FFFFFF0, s28;
	s26 =	spop (v2sf);
	(v2sf) =	vpush v0, $0xC  }
0x2a: {  	s0 =	sadd.s32 s3, s0;
	s26 =	sand.u32 $0x1FFFFFF0, s26;
	s28 =	spop (v2sf)  }
0x2b: {  	[tilespmem:s31], [sflag:$0x1] =	stream.linear.gather [hbm4b:s0+s2], $0x80, $0x38;
	(v2sf) =	vpush v0, $0xD;
	[tilespmem:$0x10400] =	vst v63  }
0x2c: {  	s0 =	sadd.s32 s3, s26;
	s26 =	sand.u32 $0x1FFFFFF0, s28;
	s28 =	spop (v2sf)  }
0x2d: {  	[tilespmem:s1], [sflag:$0x1] =	stream.linear.gather [hbm4b:s0+s2], $0x80, $0x38;
	(v2sf) =	vpush v0, $0xE;
	[tilespmem:$0x10400] =	vst v63  }
0x2e: {  	s0 =	sadd.s32 s3, s10;
	s1 =	sand.u32 $0x1FFFFFF0, s28;
	s10 =	spop (v2sf)  }
0x2f: {  	[tilespmem:s29], [sflag:$0x1] =	stream.linear.gather [hbm4b:s0+s2], $0x80, $0x38;
	(v2sf) =	vpush v0, $0xF;
	[tilespmem:$0x10400] =	vst v63  }
0x30: {  	s0 =	sadd.s32 s3, s26;
	s10 =	sand.u32 $0x1FFFFFF0, s10;
	s26 =	spop (v2sf)  }
0x31: {  	[tilespmem:s25], [sflag:$0x1] =	stream.linear.gather [hbm4b:s0+s2], $0x80, $0x38;
	[tilespmem:$0x10400] =	vst v63  }
0x32: {  	s0 =	sadd.s32 s3, s1;
	s1 =	sand.u32 $0x1FFFFFF0, s26;
	s25 =	spop (v2sf)  }
0x33: {  	[tilespmem:s30], [sflag:$0x1] =	stream.linear.gather [hbm4b:s0+s2], $0x80, $0x38;
	[tilespmem:$0x10400] =	vst v63  }
0x34: {  	s0 =	sadd.s32 s3, s10;
	s10 =	sand.u32 $0x1FFFFFF0, s25;
	s25 =	spop (v2sf)  }
0x35: {  	[tilespmem:s23], [sflag:$0x1] =	stream.linear.gather [hbm4b:s0+s2], $0x80, $0x38;
	[tilespmem:$0x10400] =	vst v63  }
0x36: {  	s0 =	sadd.s32 s3, s1;
	s1 =	sand.u32 $0x1FFFFFF0, s25;
	s23 =	spop (v2sf)  }
0x37: {  	[tilespmem:s22], [sflag:$0x1] =	stream.linear.gather [hbm4b:s0+s2], $0x80, $0x38;
	[tilespmem:$0x10400] =	vst v63  }
0x38: {  	s0 =	sadd.s32 s3, s10;
	s10 =	sand.u32 $0x1FFFFFF0, s23;
	s22 =	spop (v2sf)  }
0x39: {  	[tilespmem:s24], [sflag:$0x1] =	stream.linear.gather [hbm4b:s0+s2], $0x80, $0x38;
	[tilespmem:$0x10400] =	vst v63  }
0x3a: {  	s0 =	sadd.s32 s3, s1;
	s1 =	sand.u32 $0x1FFFFFF0, s22;
	s22 =	spop (v2sf)  }
0x3b: {  	[tilespmem:s21], [sflag:$0x1] =	stream.linear.gather [hbm4b:s0+s2], $0x80, $0x38;
	[tilespmem:$0x10400] =	vst v63  }
0x3c: {  	s0 =	sadd.s32 s3, s10;
	s10 =	sand.u32 $0x1FFFFFF0, s22;
	s21 =	spop (v2sf)  }
0x3d: {  	[tilespmem:s20], [sflag:$0x1] =	stream.linear.gather [hbm4b:s0+s2], $0x80, $0x38;
	[tilespmem:$0x10400] =	vst v63  }
0x3e: {  	s0 =	sadd.s32 s3, s1;
	s1 =	sand.u32 $0x1FFFFFF0, s21;
	s20 =	spop (v2sf)  }
0x3f: {  	[tilespmem:s18], [sflag:$0x1] =	stream.linear.gather [hbm4b:s0+s2], $0x80, $0x38;
	[tilespmem:$0x10400] =	vst v63  }
0x40: {  	s0 =	sadd.s32 s3, s10;
	s10 =	sand.u32 $0x1FFFFFF0, s20  }
0x41: {  	[tilespmem:s19], [sflag:$0x1] =	stream.linear.gather [hbm4b:s0+s2], $0x80, $0x38;
	[tilespmem:$0x10400] =	vst v63  }
0x42: {  	s1 =	sadd.s32 s3, s1;
	s0 =	sadd.s32 $0xB00, s14  }
0x43: {  	[tilespmem:s0], [sflag:$0x1] =	stream.linear.gather [hbm4b:s1+s2], $0x80, $0x38;
	[tilespmem:$0x10400] =	vst v63  }
0x44: {  	s0 =	sadd.s32 $0xB80, s14;
	s1 =	sadd.s32 s3, s10  }
0x45: {  	[tilespmem:s0], [sflag:$0x1] =	stream.linear.gather [hbm4b:s1+s2], $0x80, $0x38;
	[tilespmem:$0x10400] =	vst v63  }
0x46: {  	v0 =	vld [tilespmem:s16+$0x0];
	_ =	sdelay $0x4  }
0x47: {  	v0 =	vshll.u32 v0, $0x4  }
0x48: {  	(v2sf) =	vpush v0, $0x0  }
0x49: {  	(v2sf) =	vpush v0, $0x1  }
0x4a: {  	(v2sf) =	vpush v0, $0x2;
	_ =	sdelay $0x1  }
0x4b: {  	(v2sf) =	vpush v0, $0x4  }
.Ltmp0:
0x4c: {  	(pc) =	sbr.rel @p0 .LBB2_2-.Ltmp0, $3  }
0x4d: {  	(v2sf) =	vpush v0, $0x3  }
0x4e: {  	(v2sf) =	vpush v0, $0x5;
	_ =	sdelay $0x1  }
0x4f: {  	s14 =	sshra.s32 s17, $0x2;
	(v2sf) =	vpush v0, $0x6  }
0x50: {  	_ =	sdelay $0x1  }
0x51: {  	s0 =	sadd.s32 $0x480, s14;
	s17 =	sadd.s32 $0x980, s14  }
0x52: {  	s1 =	sadd.s32 $0x780, s14;
	s15 =	sadd.s32 $0xA00, s14;
	(v2sf) =	vpush v0, $0x7;
	s10 =	sadd.s32 $0x680, s14  }
0x53: {  	s18 =	sadd.s32 $0x800, s14;
	s16 =	sadd.s32 $0xA80, s14;
	s19 =	sadd.s32 $0x400, s14  }
0x54: {  	s20 =	sadd.s32 $0x600, s14;
	s21 =	sadd.s32 $0x700, s14;
	(v2sf) =	vpush v0, $0x8;
	s22 =	spop (v2sf)  }
0x55: {  	s23 =	sadd.s32 $0x500, s14;
	s22 =	sand.u32 $0x1FFFFFF0, s22;
	s24 =	spop (v2sf)  }
0x56: {  	(v2sf) =	vpush v0, $0x9;
	s22 =	sadd.s32 s3, s22;
	s24 =	sand.u32 $0x1FFFFFF0, s24;
	s25 =	spop (v2sf)  }
0x57: {  	[tilespmem:s19], [sflag:$0x1] =	stream.linear.gather [hbm4b:s22+s2], $0x80, $0x38;
	[tilespmem:$0x10400] =	vst v63  }
0x58: {  	(v2sf) =	vpush v0, $0xA;
	s26 =	sadd.s32 s3, s24;
	s29 =	sand.u32 $0x1FFFFFF0, s25;
	s28 =	spop (v2sf)  }
0x59: {  	[tilespmem:s0], [sflag:$0x1] =	stream.linear.gather [hbm4b:s26+s2], $0x80, $0x38;
	[tilespmem:$0x10400] =	vst v63  }
0x5a: {  	s19 =	sadd.s32 $0x900, s14;
	(v2sf) =	vpush v0, $0xB;
	s22 =	sadd.s32 s3, s29;
	s30 =	spop (v2sf)  }
0x5b: {  	s0 =	sadd.s32 $0x880, s14;
	s26 =	sadd.s32 $0x580, s14;
	s25 =	sand.u32 $0x1FFFFFF0, s30  }
0x5c: {  	(v2sf) =	vpush v0, $0xC;
	[tilespmem:s23], [sflag:$0x1] =	stream.linear.gather [hbm4b:s22+s2], $0x80, $0x38;
	[tilespmem:$0x10400] =	vst v63  }
0x5d: {  	s31 =	sand.u32 $0x1FFFFFF0, s28;
	s28 =	spop (v2sf);
	s29 =	sadd.s32 s3, s25  }
0x5e: {  	(v2sf) =	vpush v0, $0xD;
	[tilespmem:s26], [sflag:$0x1] =	stream.linear.gather [hbm4b:s29+s2], $0x80, $0x38;
	[tilespmem:$0x10400] =	vst v63  }
0x5f: {  	s22 =	sadd.s32 s3, s31;
	s23 =	sand.u32 $0x1FFFFFF0, s28;
	s30 =	spop (v2sf)  }
0x60: {  	(v2sf) =	vpush v0, $0xE;
	[tilespmem:s20], [sflag:$0x1] =	stream.linear.gather [hbm4b:s22+s2], $0x80, $0x38;
	[tilespmem:$0x10400] =	vst v63  }
0x61: {  	s23 =	sadd.s32 s3, s23;
	s31 =	sand.u32 $0x1FFFFFF0, s30;
	s24 =	spop (v2sf)  }
0x62: {  	(v2sf) =	vpush v0, $0xF;
	[tilespmem:s10], [sflag:$0x1] =	stream.linear.gather [hbm4b:s23+s2], $0x80, $0x38;
	[tilespmem:$0x10400] =	vst v63  }
0x63: {  	s25 =	sand.u32 $0x1FFFFFF0, s24;
	s26 =	spop (v2sf);
	s20 =	sadd.s32 s3, s31  }
0x64: {  	[tilespmem:s21], [sflag:$0x1] =	stream.linear.gather [hbm4b:s20+s2], $0x80, $0x38;
	[tilespmem:$0x10400] =	vst v63  }
0x65: {  	s28 =	sand.u32 $0x1FFFFFF0, s26;
	s10 =	sadd.s32 s3, s25;
	s29 =	spop (v2sf)  }
0x66: {  	[tilespmem:s1], [sflag:$0x1] =	stream.linear.gather [hbm4b:s10+s2], $0x80, $0x38;
	[tilespmem:$0x10400] =	vst v63  }
0x67: {  	s20 =	sadd.s32 s3, s28;
	s30 =	sand.u32 $0x1FFFFFF0, s29;
	s31 =	spop (v2sf)  }
0x68: {  	[tilespmem:s18], [sflag:$0x1] =	stream.linear.gather [hbm4b:s20+s2], $0x80, $0x38;
	[tilespmem:$0x10400] =	vst v63  }
0x69: {  	s10 =	sand.u32 $0x1FFFFFF0, s31;
	s1 =	sadd.s32 s3, s30;
	s20 =	spop (v2sf)  }
0x6a: {  	[tilespmem:s0], [sflag:$0x1] =	stream.linear.gather [hbm4b:s1+s2], $0x80, $0x38;
	[tilespmem:$0x10400] =	vst v63  }
0x6b: {  	s10 =	sadd.s32 s3, s10;
	s21 =	sand.u32 $0x1FFFFFF0, s20;
	s22 =	spop (v2sf)  }
0x6c: {  	[tilespmem:s19], [sflag:$0x1] =	stream.linear.gather [hbm4b:s10+s2], $0x80, $0x38;
	[tilespmem:$0x10400] =	vst v63  }
0x6d: {  	s0 =	sadd.s32 s3, s21;
	s1 =	sand.u32 $0x1FFFFFF0, s22;
	s23 =	spop (v2sf)  }
0x6e: {  	[tilespmem:s17], [sflag:$0x1] =	stream.linear.gather [hbm4b:s0+s2], $0x80, $0x38;
	[tilespmem:$0x10400] =	vst v63  }
0x6f: {  	s24 =	sand.u32 $0x1FFFFFF0, s23;
	s1 =	sadd.s32 s3, s1;
	s25 =	spop (v2sf)  }
0x70: {  	[tilespmem:s15], [sflag:$0x1] =	stream.linear.gather [hbm4b:s1+s2], $0x80, $0x38;
	[tilespmem:$0x10400] =	vst v63  }
0x71: {  	s26 =	sand.u32 $0x1FFFFFF0, s25;
	s28 =	spop (v2sf);
	s0 =	sadd.s32 s3, s24  }
0x72: {  	[tilespmem:s16], [sflag:$0x1] =	stream.linear.gather [hbm4b:s0+s2], $0x80, $0x38;
	[tilespmem:$0x10400] =	vst v63  }
0x73: {  	s30 =	sadd.s32 $0xB00, s14;
	s29 =	sand.u32 $0x1FFFFFF0, s28;
	s1 =	sadd.s32 s3, s26  }
0x74: {  	[tilespmem:s30], [sflag:$0x1] =	stream.linear.gather [hbm4b:s1+s2], $0x80, $0x38;
	[tilespmem:$0x10400] =	vst v63  }
0x75: {  	s31 =	sadd.s32 $0xB80, s14;
	s0 =	sadd.s32 s3, s29  }
0x76: {  	[tilespmem:s31], [sflag:$0x1] =	stream.linear.gather [hbm4b:s0+s2], $0x80, $0x38;
	[tilespmem:$0x10400] =	vst v63  }
0x77: {  	_ =	swait.ge [sflag:s11], $0x80  }
0x78: {  	s14 =	simm.s32 $0x1FF;
	[sflag:s11] =	ssyncset.done $0x0  }
.LBB2_4:
0x79: {  	p0 =	sne.s32 s14, $0x1;
	s14 =	sadd.s32 $0xFFFFFFFF, s14;
	[sflag:s11] =	ssyncadd.s32 $0xFFFFFF80  }
.Ltmp1:
0x7a: {  	(pc) =	sbr.rel @p0 .LBB2_4-.Ltmp1, $3  }
0x7b: {  	_ =	sdelay $0x1  }
0x7c: {  	_ =	swait.ge [sflag:s11], $0x80  }
0x7d: {  	[sflag:s11] =	ssyncset.done $0x0  }
0x7e: {  	[sflag:s11] =	ssyncadd.s32 $0xFFFFFF80;
	s0 =	simm.s32 $0x0  }
0x7f: {  	[hbm4b:s6+s0] =	stream.linear.scatter [tilespmem:s12], [sflag:$0x2], $0x10000, $0x38;
	[tilespmem:$0x10400] =	vst v63  }
0x80: {  	_ =	swait.ge [sflag:s9], $0x10000  }
0x81: {  	[sflag:s9] =	ssyncset.done $0x0  }
0x82: {  	s15 =	simm.s32 $0x200;
	[sflag:s9] =	ssyncadd.s32 $0xFFFF0000  }
0x83: {  	v0 =	vld [tilespmem:s15+$0x0];
	_ =	sdelay $0x4  }
0x84: {  	v0 =	vshll.u32 v0, $0x4  }
0x85: {  	(v2sf) =	vpush v0, $0x0  }
0x86: {  	(v2sf) =	vpush v0, $0x1  }
0x87: {  	(v2sf) =	vpush v0, $0x2;
	_ =	sdelay $0x1  }
0x88: {  	(v2sf) =	vpush v0, $0x4;
	_ =	sdelay $0x1  }
0x89: {  	(v2sf) =	vpush v0, $0x3  }
0x8a: {  	(v2sf) =	vpush v0, $0x5  }
0x8b: {  	s16 =	simm.s32 $0x2000;
	s14 =	simm.s32 $0x0;
	(v2sf) =	vpush v0, $0x6  }
.LBB2_6:
0x8c: {  	p0 =	sne.s32 s16, $0x3E000  }
0x8d: {  	s0 =	sadd.s32 $0x480, s14;
	s20 =	sadd.s32 $0x980, s14;
	s17 =	smov.u32 s16  }
0x8e: {  	s16 =	sadd.s32 $0x2000, s16;
	s23 =	sadd.s32 $0x780, s14;
	s18 =	sadd.s32 $0xA00, s14;
	(v2sf) =	vpush v0, $0x7  }
0x8f: {  	s25 =	sadd.s32 $0x680, s14;
	s22 =	sadd.s32 $0x800, s14;
	s19 =	sadd.s32 $0xA80, s14  }
0x90: {  	s1 =	sadd.s32 $0x400, s14;
	s10 =	sadd.s32 $0x600, s14;
	(v2sf) =	vpush v0, $0x8  }
0x91: {  	s26 =	sadd.s32 $0x700, s14;
	s15 =	sadd.s32 $0x10, s15  }
0x92: {  	s28 =	sadd.s32 $0x500, s14;
	s21 =	sadd.s32 $0x900, s14;
	s24 =	spop (v2sf);
	(v2sf) =	vpush v0, $0x9  }
0x93: {  	s29 =	sand.u32 $0x1FFFFFF0, s24;
	s24 =	sadd.s32 $0x880, s14;
	s30 =	spop (v2sf)  }
0x94: {  	s29 =	sadd.s32 s3, s29;
	s30 =	sand.u32 $0x1FFFFFF0, s30;
	s31 =	spop (v2sf);
	(v2sf) =	vpush v0, $0xA  }
0x95: {  	[tilespmem:s1], [sflag:$0x1] =	stream.linear.gather [hbm4b:s29+s2], $0x80, $0x38;
	[tilespmem:$0x10400] =	vst v63  }
0x96: {  	s1 =	sadd.s32 s3, s30;
	s29 =	sadd.s32 $0x580, s14;
	s30 =	spop (v2sf);
	(v2sf) =	vpush v0, $0xB  }
0x97: {  	[tilespmem:s0], [sflag:$0x1] =	stream.linear.gather [hbm4b:s1+s2], $0x80, $0x38;
	[tilespmem:$0x10400] =	vst v63  }
0x98: {  	s0 =	sand.u32 $0x1FFFFFF0, s31;
	s1 =	sand.u32 $0x1FFFFFF0, s30;
	s30 =	spop (v2sf);
	(v2sf) =	vpush v0, $0xC  }
0x99: {  	s0 =	sadd.s32 s3, s0;
	s30 =	sand.u32 $0x1FFFFFF0, s30;
	s31 =	spop (v2sf)  }
0x9a: {  	[tilespmem:s28], [sflag:$0x1] =	stream.linear.gather [hbm4b:s0+s2], $0x80, $0x38;
	(v2sf) =	vpush v0, $0xD;
	[tilespmem:$0x10400] =	vst v63  }
0x9b: {  	s0 =	sadd.s32 s3, s30;
	s28 =	sand.u32 $0x1FFFFFF0, s31;
	s30 =	spop (v2sf)  }
0x9c: {  	[tilespmem:s29], [sflag:$0x1] =	stream.linear.gather [hbm4b:s0+s2], $0x80, $0x38;
	(v2sf) =	vpush v0, $0xE;
	[tilespmem:$0x10400] =	vst v63  }
0x9d: {  	s0 =	sadd.s32 s3, s1;
	s1 =	sand.u32 $0x1FFFFFF0, s30;
	s29 =	spop (v2sf)  }
0x9e: {  	[tilespmem:s10], [sflag:$0x1] =	stream.linear.gather [hbm4b:s0+s2], $0x80, $0x38;
	(v2sf) =	vpush v0, $0xF;
	[tilespmem:$0x10400] =	vst v63  }
0x9f: {  	s0 =	sadd.s32 s3, s28;
	s10 =	sand.u32 $0x1FFFFFF0, s29;
	s28 =	spop (v2sf)  }
0xa0: {  	[tilespmem:s25], [sflag:$0x1] =	stream.linear.gather [hbm4b:s0+s2], $0x80, $0x38;
	[tilespmem:$0x10400] =	vst v63  }
0xa1: {  	s0 =	sadd.s32 s3, s1;
	s1 =	sand.u32 $0x1FFFFFF0, s28;
	s25 =	spop (v2sf)  }
0xa2: {  	[tilespmem:s26], [sflag:$0x1] =	stream.linear.gather [hbm4b:s0+s2], $0x80, $0x38;
	[tilespmem:$0x10400] =	vst v63  }
0xa3: {  	s0 =	sadd.s32 s3, s10;
	s10 =	sand.u32 $0x1FFFFFF0, s25;
	s25 =	spop (v2sf)  }
0xa4: {  	[tilespmem:s23], [sflag:$0x1] =	stream.linear.gather [hbm4b:s0+s2], $0x80, $0x38;
	[tilespmem:$0x10400] =	vst v63  }
0xa5: {  	s0 =	sadd.s32 s3, s1;
	s1 =	sand.u32 $0x1FFFFFF0, s25;
	s23 =	spop (v2sf)  }
0xa6: {  	[tilespmem:s22], [sflag:$0x1] =	stream.linear.gather [hbm4b:s0+s2], $0x80, $0x38;
	[tilespmem:$0x10400] =	vst v63  }
0xa7: {  	s0 =	sadd.s32 s3, s10;
	s10 =	sand.u32 $0x1FFFFFF0, s23;
	s22 =	spop (v2sf)  }
0xa8: {  	[tilespmem:s24], [sflag:$0x1] =	stream.linear.gather [hbm4b:s0+s2], $0x80, $0x38;
	[tilespmem:$0x10400] =	vst v63  }
0xa9: {  	s0 =	sadd.s32 s3, s1;
	s1 =	sand.u32 $0x1FFFFFF0, s22;
	s22 =	spop (v2sf)  }
0xaa: {  	[tilespmem:s21], [sflag:$0x1] =	stream.linear.gather [hbm4b:s0+s2], $0x80, $0x38;
	[tilespmem:$0x10400] =	vst v63  }
0xab: {  	s0 =	sadd.s32 s3, s10;
	s10 =	sand.u32 $0x1FFFFFF0, s22;
	s21 =	spop (v2sf)  }
0xac: {  	[tilespmem:s20], [sflag:$0x1] =	stream.linear.gather [hbm4b:s0+s2], $0x80, $0x38;
	[tilespmem:$0x10400] =	vst v63  }
0xad: {  	s0 =	sadd.s32 s3, s1;
	s1 =	sand.u32 $0x1FFFFFF0, s21;
	s20 =	spop (v2sf)  }
0xae: {  	[tilespmem:s18], [sflag:$0x1] =	stream.linear.gather [hbm4b:s0+s2], $0x80, $0x38;
	[tilespmem:$0x10400] =	vst v63  }
0xaf: {  	s0 =	sadd.s32 s3, s10;
	s10 =	sand.u32 $0x1FFFFFF0, s20  }
0xb0: {  	[tilespmem:s19], [sflag:$0x1] =	stream.linear.gather [hbm4b:s0+s2], $0x80, $0x38;
	[tilespmem:$0x10400] =	vst v63  }
0xb1: {  	s1 =	sadd.s32 s3, s1;
	s0 =	sadd.s32 $0xB00, s14  }
0xb2: {  	[tilespmem:s0], [sflag:$0x1] =	stream.linear.gather [hbm4b:s1+s2], $0x80, $0x38;
	[tilespmem:$0x10400] =	vst v63  }
0xb3: {  	s0 =	sadd.s32 $0xB80, s14;
	s1 =	sadd.s32 s3, s10  }
0xb4: {  	[tilespmem:s0], [sflag:$0x1] =	stream.linear.gather [hbm4b:s1+s2], $0x80, $0x38;
	[tilespmem:$0x10400] =	vst v63  }
0xb5: {  	v0 =	vld [tilespmem:s15+$0x0];
	_ =	sdelay $0x4  }
0xb6: {  	v0 =	vshll.u32 v0, $0x4  }
0xb7: {  	(v2sf) =	vpush v0, $0x0  }
0xb8: {  	(v2sf) =	vpush v0, $0x1  }
0xb9: {  	(v2sf) =	vpush v0, $0x2;
	_ =	sdelay $0x1  }
0xba: {  	(v2sf) =	vpush v0, $0x4  }
.Ltmp2:
0xbb: {  	(pc) =	sbr.rel @p0 .LBB2_6-.Ltmp2, $3  }
0xbc: {  	(v2sf) =	vpush v0, $0x3  }
0xbd: {  	(v2sf) =	vpush v0, $0x5;
	_ =	sdelay $0x1  }
0xbe: {  	s14 =	sshra.s32 s17, $0x2;
	(v2sf) =	vpush v0, $0x6  }
0xbf: {  	_ =	sdelay $0x1  }
0xc0: {  	s0 =	sadd.s32 $0x480, s14;
	s17 =	sadd.s32 $0x980, s14  }
0xc1: {  	s1 =	sadd.s32 $0x780, s14;
	s15 =	sadd.s32 $0xA00, s14;
	(v2sf) =	vpush v0, $0x7;
	s10 =	sadd.s32 $0x680, s14  }
0xc2: {  	s18 =	sadd.s32 $0x800, s14;
	s16 =	sadd.s32 $0xA80, s14;
	s19 =	sadd.s32 $0x400, s14  }
0xc3: {  	s20 =	sadd.s32 $0x600, s14;
	s21 =	sadd.s32 $0x700, s14;
	(v2sf) =	vpush v0, $0x8;
	s22 =	spop (v2sf)  }
0xc4: {  	s23 =	sadd.s32 $0x500, s14;
	s22 =	sand.u32 $0x1FFFFFF0, s22;
	s24 =	spop (v2sf)  }
0xc5: {  	(v2sf) =	vpush v0, $0x9;
	s22 =	sadd.s32 s3, s22;
	s24 =	sand.u32 $0x1FFFFFF0, s24;
	s25 =	spop (v2sf)  }
0xc6: {  	[tilespmem:s19], [sflag:$0x1] =	stream.linear.gather [hbm4b:s22+s2], $0x80, $0x38;
	[tilespmem:$0x10400] =	vst v63  }
0xc7: {  	(v2sf) =	vpush v0, $0xA;
	s26 =	sadd.s32 s3, s24;
	s29 =	sand.u32 $0x1FFFFFF0, s25;
	s28 =	spop (v2sf)  }
0xc8: {  	[tilespmem:s0], [sflag:$0x1] =	stream.linear.gather [hbm4b:s26+s2], $0x80, $0x38;
	[tilespmem:$0x10400] =	vst v63  }
0xc9: {  	s19 =	sadd.s32 $0x900, s14;
	(v2sf) =	vpush v0, $0xB;
	s22 =	sadd.s32 s3, s29;
	s30 =	spop (v2sf)  }
0xca: {  	s0 =	sadd.s32 $0x880, s14;
	s26 =	sadd.s32 $0x580, s14;
	s25 =	sand.u32 $0x1FFFFFF0, s30  }
0xcb: {  	(v2sf) =	vpush v0, $0xC;
	[tilespmem:s23], [sflag:$0x1] =	stream.linear.gather [hbm4b:s22+s2], $0x80, $0x38;
	[tilespmem:$0x10400] =	vst v63  }
0xcc: {  	s31 =	sand.u32 $0x1FFFFFF0, s28;
	s28 =	spop (v2sf);
	s29 =	sadd.s32 s3, s25  }
0xcd: {  	(v2sf) =	vpush v0, $0xD;
	[tilespmem:s26], [sflag:$0x1] =	stream.linear.gather [hbm4b:s29+s2], $0x80, $0x38;
	[tilespmem:$0x10400] =	vst v63  }
0xce: {  	s22 =	sadd.s32 s3, s31;
	s23 =	sand.u32 $0x1FFFFFF0, s28;
	s30 =	spop (v2sf)  }
0xcf: {  	(v2sf) =	vpush v0, $0xE;
	[tilespmem:s20], [sflag:$0x1] =	stream.linear.gather [hbm4b:s22+s2], $0x80, $0x38;
	[tilespmem:$0x10400] =	vst v63  }
0xd0: {  	s23 =	sadd.s32 s3, s23;
	s31 =	sand.u32 $0x1FFFFFF0, s30;
	s24 =	spop (v2sf)  }
0xd1: {  	(v2sf) =	vpush v0, $0xF;
	[tilespmem:s10], [sflag:$0x1] =	stream.linear.gather [hbm4b:s23+s2], $0x80, $0x38;
	[tilespmem:$0x10400] =	vst v63  }
0xd2: {  	s25 =	sand.u32 $0x1FFFFFF0, s24;
	s26 =	spop (v2sf);
	s20 =	sadd.s32 s3, s31  }
0xd3: {  	[tilespmem:s21], [sflag:$0x1] =	stream.linear.gather [hbm4b:s20+s2], $0x80, $0x38;
	[tilespmem:$0x10400] =	vst v63  }
0xd4: {  	s28 =	sand.u32 $0x1FFFFFF0, s26;
	s10 =	sadd.s32 s3, s25;
	s29 =	spop (v2sf)  }
0xd5: {  	[tilespmem:s1], [sflag:$0x1] =	stream.linear.gather [hbm4b:s10+s2], $0x80, $0x38;
	[tilespmem:$0x10400] =	vst v63  }
0xd6: {  	s20 =	sadd.s32 s3, s28;
	s30 =	sand.u32 $0x1FFFFFF0, s29;
	s31 =	spop (v2sf)  }
0xd7: {  	[tilespmem:s18], [sflag:$0x1] =	stream.linear.gather [hbm4b:s20+s2], $0x80, $0x38;
	[tilespmem:$0x10400] =	vst v63  }
0xd8: {  	s10 =	sand.u32 $0x1FFFFFF0, s31;
	s1 =	sadd.s32 s3, s30;
	s20 =	spop (v2sf)  }
0xd9: {  	[tilespmem:s0], [sflag:$0x1] =	stream.linear.gather [hbm4b:s1+s2], $0x80, $0x38;
	[tilespmem:$0x10400] =	vst v63  }
0xda: {  	s10 =	sadd.s32 s3, s10;
	s21 =	sand.u32 $0x1FFFFFF0, s20;
	s22 =	spop (v2sf)  }
0xdb: {  	[tilespmem:s19], [sflag:$0x1] =	stream.linear.gather [hbm4b:s10+s2], $0x80, $0x38;
	[tilespmem:$0x10400] =	vst v63  }
0xdc: {  	s0 =	sadd.s32 s3, s21;
	s1 =	sand.u32 $0x1FFFFFF0, s22;
	s23 =	spop (v2sf)  }
0xdd: {  	[tilespmem:s17], [sflag:$0x1] =	stream.linear.gather [hbm4b:s0+s2], $0x80, $0x38;
	[tilespmem:$0x10400] =	vst v63  }
0xde: {  	s24 =	sand.u32 $0x1FFFFFF0, s23;
	s1 =	sadd.s32 s3, s1;
	s25 =	spop (v2sf)  }
0xdf: {  	[tilespmem:s15], [sflag:$0x1] =	stream.linear.gather [hbm4b:s1+s2], $0x80, $0x38;
	[tilespmem:$0x10400] =	vst v63  }
0xe0: {  	s26 =	sand.u32 $0x1FFFFFF0, s25;
	s28 =	spop (v2sf);
	s0 =	sadd.s32 s3, s24  }
0xe1: {  	[tilespmem:s16], [sflag:$0x1] =	stream.linear.gather [hbm4b:s0+s2], $0x80, $0x38;
	[tilespmem:$0x10400] =	vst v63  }
0xe2: {  	s30 =	sadd.s32 $0xB00, s14;
	s29 =	sand.u32 $0x1FFFFFF0, s28;
	s1 =	sadd.s32 s3, s26  }
0xe3: {  	[tilespmem:s30], [sflag:$0x1] =	stream.linear.gather [hbm4b:s1+s2], $0x80, $0x38;
	[tilespmem:$0x10400] =	vst v63  }
0xe4: {  	s31 =	sadd.s32 $0xB80, s14;
	s0 =	sadd.s32 s3, s29  }
0xe5: {  	[tilespmem:s31], [sflag:$0x1] =	stream.linear.gather [hbm4b:s0+s2], $0x80, $0x38;
	[tilespmem:$0x10400] =	vst v63  }
0xe6: {  	_ =	swait.ge [sflag:s11], $0x80  }
0xe7: {  	s14 =	simm.s32 $0x1FF;
	[sflag:s11] =	ssyncset.done $0x0  }
.LBB2_8:
0xe8: {  	p0 =	sne.s32 s14, $0x1;
	s14 =	sadd.s32 $0xFFFFFFFF, s14;
	[sflag:s11] =	ssyncadd.s32 $0xFFFFFF80  }
.Ltmp3:
0xe9: {  	(pc) =	sbr.rel @p0 .LBB2_8-.Ltmp3, $3  }
0xea: {  	_ =	sdelay $0x1  }
0xeb: {  	_ =	swait.ge [sflag:s11], $0x80  }
0xec: {  	[sflag:s11] =	ssyncset.done $0x0  }
0xed: {  	s13 =	sadd.s32 $0x1, s13  }
0xee: {  	p0 =	sne.s32 s13, s8  }
.Ltmp4:
0xef: {  	[sflag:s11] =	ssyncadd.s32 $0xFFFFFF80;
	(pc) =	sbr.rel @p0 .LBB2_1-.Ltmp4, $4  }
0xf0: {  	[hbm4b:s7+s2] =	stream.linear.scatter [tilespmem:s12], [sflag:$0x2], $0x10000, $0x38;
	[tilespmem:$0x10400] =	vst v63  }
0xf1: {  	_ =	swait.ge [sflag:s9], $0x10000  }
0xf2: {  	[sflag:s9] =	ssyncset.done $0x0  }
0xf3: {  	[sflag:s9] =	ssyncadd.s32 $0xFFFF0000  }
0xf4: {  	_ =	sfence.sel $0x180000  }
0xf5: {  	[bflag:$0x0] =	sbarrier.arrive $0xFFFF  }
0xf6: {  	_ =	strace $0x90000047  }
0xf7: {  	s0 =	stileid.u32;
	[bflag:$0x2] =	sbarrier.arrive $0xFFFF  }
0xf8: {  	p0 =	sne.s32 s0, $0x0;
	s0 =	rddreg [dreg:$0x3]  }
0xf9: {  	s0 =	sadd.s32 @!p0 $0x100000, s0  }
0xfa: {  	[sflag:s0] =	ssyncadd.tile.s32 @!p0 $0x1;
	_ =	shalt  }
.Lfunc_end2:
_tile_overlayer_lowered:
.L_overlay_start_2:
0xfb: {  	(tag) =	ssettag $0x2  }
0xfc: {  	s0 =	rddreg [dreg:$0x0];
	s2 =	stileid.u32  }
0xfd: {  	s1 =	rddreg [dreg:$0x1];
	p0 =	sne.s32 s2, $0x0  }
0xfe: {  	s3 =	rddreg [dreg:$0x2];
	[bflag:$0x3] =	sbarrier.arrive $0xFFFF;
	s2 =	simm.s32 @!p0 $0x1C02  }
0xff: {  	[timem:s3], [sflag:s2] =	dma.local @!p0 [hbm:s0], s1  }
0x100: {  	s0 =	simm.s32 @!p0 $0x2  }
0x101: {  	_ =	swait.ge @!p0 [sflag:s0], s1  }
0x102: {  	s1 =	ssub.s32 @!p0 $0x0, s1;
	[sflag:s0] =	ssyncset.done @!p0 $0x0  }
0x103: {  	[sflag:s0] =	ssyncadd.s32 @!p0 s1  }
0x104: {  	[bflag:$0x3] =	sbarrier.arrive $0xFFFF  }
0x105: {  	_ =	shalt  }

</sc_bundles>
